<compile_context>
chip_gen: v7x
topology: tpu7x:2x2x1
jax: 0.10.2.dev20260603
libtpu: 0.0.44.dev20260713+nightly
codegen_flags: <defaults>
</compile_context>

<pallas_src>
import functools
import math
import numpy as np
import jax
import jax.numpy as jnp
from jax import lax
from jax.experimental import pallas as pl
from jax.experimental.pallas import tpu as pltpu
from jax.experimental.pallas import tpu_sc as plsc

_B = 64
_N = 196
_D = 768
_K = 4
_NB = 8
_ROWS = _B * _N * _K
_BPP = 4


def _neighbor_table():
    n = int(math.sqrt(_N))
    loc = []
    for i in range(_N):
        ix, iy = divmod(i, n)
        wx = np.zeros(n)
        wy = np.zeros(n)
        wx[ix] = 1.0
        wy[iy] = 1.0
        for j in (1,):
            wx[(ix + j) % n] = 1.0
            wx[(ix - j) % n] = 1.0
            wy[(iy + j) % n] = 1.0
            wy[(iy - j) % n] = 1.0
        w = (wy[None, :] * wx[:, None]).reshape(-1)
        w[i] = 0.0
        loc.append(np.nonzero(w)[0])
    return np.stack(loc).astype(np.int32)


_LOCAL_NP = _neighbor_table()


def _tc_body(x_ref, li_ref, ti_ref, gi_ref):
    li = li_ref[...]
    colj = lax.broadcasted_iota(jnp.int32, (_N, _N), 1)
    kio = lax.broadcasted_iota(jnp.int32, (_N, _NB), 1)
    for q in range(_BPP):
        b = pl.program_id(0) * _BPP + q
        xb = x_ref[q]
        nrm = jnp.maximum(jnp.sqrt(jnp.sum(xb * xb, axis=1, keepdims=True)),
                          1e-12)
        xn = xb / nrm
        xnb = xn.astype(jnp.bfloat16)
        S = lax.dot_general(xnb, xnb, (((1,), (1,)), ((), ())),
                            preferred_element_type=jnp.float32)
        sims = []
        for k in range(_NB):
            mk = colj == li[:, k:k + 1]
            sims.append(jnp.sum(jnp.where(mk, S, 0.0), axis=1, keepdims=True))
        sim = jnp.concatenate(sims, axis=1)

        cur = sim
        top_cols = []
        nl_cols = []
        for t in range(_K):
            m = jnp.max(cur, axis=1, keepdims=True)
            cand = jnp.where(cur == m, kio, _NB)
            idx_t = jnp.min(cand, axis=1, keepdims=True)
            top_cols.append(idx_t)
            chosen = kio == idx_t
            cur = jnp.where(chosen, -jnp.inf, cur)
            nl_cols.append(jnp.sum(jnp.where(chosen, li, 0), axis=1,
                                   keepdims=True))
        ti_ref[q] = jnp.concatenate(top_cols, axis=1)
        gi_ref[q] = jnp.concatenate(nl_cols, axis=1) + b * _N


def _run_tc(x, interpret=False):
    li = jnp.asarray(_LOCAL_NP)
    return pl.pallas_call(
        _tc_body,
        grid=(_B // _BPP,),
        in_specs=[
            pl.BlockSpec((_BPP, _N, _D), lambda b: (b, 0, 0)),
            pl.BlockSpec((_N, _NB), lambda b: (0, 0)),
        ],
        out_specs=[
            pl.BlockSpec((_BPP, _N, _K), lambda b: (b, 0, 0)),
            pl.BlockSpec((_BPP, _N, _K), lambda b: (b, 0, 0)),
        ],
        out_shape=[
            jax.ShapeDtypeStruct((_B, _N, _K), jnp.int32),
            jax.ShapeDtypeStruct((_B, _N, _K), jnp.int32),
        ],
        compiler_params=pltpu.CompilerParams(
            dimension_semantics=("parallel",)),
        interpret=interpret,
    )(x, li)


_NC = 2
_NS = 16
_NW = _NC * _NS
_BPW = _ROWS // _NW
_CH = 32
_NCHUNK = _BPW // _CH
_NSLOT = 4
_LOOK = 2


def _sc_gather_body(table, idx, out, idx_v, rows_v, gsem, wsem):
    wid = lax.axis_index("s") * _NC + lax.axis_index("c")
    base = wid * _BPW
    pltpu.sync_copy(idx.at[wid], idx_v)

    def gcp(j, s):
        return pltpu.make_async_copy(
            table.at[idx_v.at[j]], rows_v.at[s], gsem.at[s])

    def wcp(j, s):
        return pltpu.make_async_copy(
            rows_v.at[s], out.at[pl.ds(base + j * _CH, _CH)], wsem.at[s])

    for p in range(_LOOK):
        gcp(p, p).start()

    def body(i, c):
        for s in range(_NSLOT):
            j = _NSLOT * i + s
            nxt = j + _LOOK
            ns = (s + _LOOK) % _NSLOT

            @pl.when(nxt < _NCHUNK)
            def _():
                @pl.when(nxt >= _NSLOT)
                def _():
                    wcp(nxt - _NSLOT, ns).wait()
                gcp(nxt, ns).start()

            gcp(j, s).wait()
            wcp(j, s).start()
        return c

    lax.fori_loop(0, _NCHUNK // _NSLOT, body, 0)
    for j in range(_NSLOT * (_NCHUNK // _NSLOT), _NCHUNK):
        gcp(j, j % _NSLOT).wait()
        wcp(j, j % _NSLOT).start()
    for j in range(_NCHUNK - _NSLOT, _NCHUNK):
        wcp(j, j % _NSLOT).wait()


def _run_sc_gather(table, gidx):
    mesh = plsc.VectorSubcoreMesh(core_axis_name="c", subcore_axis_name="s")
    f = functools.partial(
        pl.kernel,
        mesh=mesh,
        out_type=jax.ShapeDtypeStruct((_ROWS, _D), jnp.float32),
        scratch_types=[
            pltpu.VMEM((_NCHUNK, _CH), jnp.int32),
            pltpu.VMEM((_NSLOT, _CH, _D), jnp.float32),
            pltpu.SemaphoreType.DMA((_NSLOT,)),
            pltpu.SemaphoreType.DMA((_NSLOT,)),
        ],
    )(_sc_gather_body)
    return f(table, gidx.reshape(_NW, _NCHUNK, _CH))


def _ilv_body(xf_ref, out_ref):
    out_ref[...] = xf_ref[...].reshape(2 * _N, _K, _D)


def _run_interleave(xl_flat):
    return pl.pallas_call(
        _ilv_body,
        grid=(_B // 2,),
        in_specs=[pl.BlockSpec((2 * _N * _K, _D), lambda b: (b, 0))],
        out_specs=pl.BlockSpec((2 * _N, _K, _D), lambda b: (b, 0, 0)),
        out_shape=jax.ShapeDtypeStruct((_B * _N, _K, _D), jnp.float32),
        compiler_params=pltpu.CompilerParams(
            dimension_semantics=("parallel",)),
    )(xl_flat)


def kernel(x):
    ti, gi = _run_tc(x)
    xl_flat = _run_sc_gather(x.reshape(_B * _N, _D), gi.reshape(_ROWS))
    xl = _run_interleave(xl_flat)
    return (ti.reshape(_B * _N, _K, 1), xl)

# --- scband reference (transcript-rebuilt; emitter-appended) ---
"""Pipeline reference for scband-patch-head-48146583388360 (READ-ONLY COPY).

The authoritative reference and input builder live on the scoring server;
editing this copy changes nothing except your own understanding.
"""

import jax, jax.numpy as jnp
import numpy as np
import math

def get_local_index(N_patches, k_size):
    n = int(math.sqrt(N_patches))
    loc = []
    for i in range(N_patches):
        ix, iy = i // n, i % n
        wx = np.zeros(n, dtype=np.float64)
        wy = np.zeros(n, dtype=np.float64)
        wx[ix] = 1.0
        wy[iy] = 1.0
        for j in range(1, k_size // 2 + 1):
            wx[(ix + j) % n] = 1.0
            wx[(ix - j) % n] = 1.0
            wy[(iy + j) % n] = 1.0
            wy[(iy - j) % n] = 1.0
        weight = (wy[None, :] * wx[:, None]).reshape(-1)
        weight[i] = 0.0
        loc.append(np.nonzero(weight)[0])
    return np.stack(loc)

K_NUM = 4
K_SIZE = 3
EMBED_DIM = 768
LOCAL_IDX = jnp.asarray(get_local_index(196, K_SIZE), dtype=jnp.int32)

def setup_inputs(seed: int = 0):
    key = jax.random.key(seed)
    x = jax.random.normal(key, (64, 196, EMBED_DIM), dtype=jnp.float32)
    return {"x": x}

def reference(x):
    eps = 1e-12
    norm = jnp.maximum(jnp.linalg.norm(x, axis=-1, keepdims=True), eps)
    x_norm = x / norm
    nb = x_norm[:, LOCAL_IDX]  # [B, 196, 8, D] gather of neighbor embeddings
    sim = jnp.einsum('bnkd,bnd->bnk', nb, x_norm)  # [B, 196, 8]
    _, top_idx = jax.lax.top_k(sim, K_NUM)  # [B, 196, K]
    top_idx = top_idx.reshape(-1, K_NUM, 1)
    n_loc = K_SIZE * K_SIZE - 1
    x_loc = x[:, LOCAL_IDX].reshape(-1, n_loc, EMBED_DIM)  # [B*196, 8, D]
    idx = jnp.broadcast_to(top_idx, (top_idx.shape[0], K_NUM, EMBED_DIM))
    x_loc = jnp.take_along_axis(x_loc, idx, axis=1)  # [B*196, K, D]
    return (top_idx, x_loc)

if __name__ == "__main__":
    import jax
    _d = setup_inputs()
    print(jax.jit(kernel)(*tuple(_d.values())))

</pallas_src>

<mosaic_0001>
#map = affine_map<(d0, d1) -> (0, 0)>
#map1 = affine_map<(d0, d1) -> (0, 0, 0)>
module attributes {stable_mosaic.version = 14 : i64} {
  func.func @_sc_gather_body(%arg0: i32, %arg1: i32, %arg2: memref<12544x768xf32, #tpu.memory_space<hbm>>, %arg3: memref<32x49x32xi32, #tpu.memory_space<hbm>>, %arg4: memref<50176x768xf32, #tpu.memory_space<hbm>>, %arg5: memref<49x32xi32, #tpu.memory_space<vmem>>, %arg6: memref<4x32x768xf32, #tpu.memory_space<vmem>>, %arg7: memref<4x!tpu.dma_semaphore, #tpu.memory_space<semaphore_mem>>, %arg8: memref<4x!tpu.dma_semaphore, #tpu.memory_space<semaphore_mem>>) attributes {dimension_semantics = [#tpu.dimension_semantics<core_parallel>, #tpu.dimension_semantics<subcore_parallel>], iteration_bounds = array<i64: 2, 16>, scalar_prefetch = 0 : i64, scratch_operands = 4 : i64, tpu.core_type = #tpu.core_type<sc_vector_subcore>, window_params = [{transform_indices = #map}, {transform_indices = #map1}, {transform_indices = #map}]} {
    %mul3A = arith.constant 2 : i32
    %mul3A_0 = arith.muli %arg1, %mul3A : i32
    %add3A = arith.addi %mul3A_0, %arg0 : i32
    %mul3A_1 = arith.constant 1568 : i32
    %mul3A_2 = arith.muli %add3A, %mul3A_1 : i32
    "tpu.region"() ({
      %run_scoped3A = tpu.sem_alloc : memref<!tpu.dma_semaphore, #tpu.memory_space<semaphore_mem>>
      %dma_start3A_141 = arith.constant 0 : i32
      %dma_start3A_142 = arith.constant 0 : i32
      %dma_start3A_143 = tpu.memref_slice %arg3[%add3A, %dma_start3A_141, %dma_start3A_142] : memref<32x49x32xi32, #tpu.memory_space<hbm>> -> memref<1x49x32xi32, #tpu.memory_space<hbm>>
      %dma_start3A_144 = tpu.memref_squeeze %dma_start3A_143 : memref<1x49x32xi32, #tpu.memory_space<hbm>> -> memref<49x32xi32, #tpu.memory_space<hbm>>
      %dma_start3A_145 = arith.constant 0 : i32
      %dma_start3A_146 = arith.constant 0 : i32
      %dma_start3A_147 = tpu.memref_slice %arg3[%add3A, %dma_start3A_145, %dma_start3A_146] : memref<32x49x32xi32, #tpu.memory_space<hbm>> -> memref<1x49x32xi32, #tpu.memory_space<hbm>>
      %dma_start3A_148 = tpu.memref_squeeze %dma_start3A_147 : memref<1x49x32xi32, #tpu.memory_space<hbm>> -> memref<49x32xi32, #tpu.memory_space<hbm>>
      tpu.enqueue_dma source(%dma_start3A_148 : memref<49x32xi32, #tpu.memory_space<hbm>>) target(%arg5 : memref<49x32xi32, #tpu.memory_space<vmem>>) target_semaphore(%run_scoped3A : memref<!tpu.dma_semaphore, #tpu.memory_space<semaphore_mem>>)
      %dma_wait3A_149 = arith.constant 0 : i32
      %dma_wait3A_150 = arith.constant 0 : i32
      %dma_wait3A_151 = tpu.memref_slice %arg3[%add3A, %dma_wait3A_149, %dma_wait3A_150] : memref<32x49x32xi32, #tpu.memory_space<hbm>> -> memref<1x49x32xi32, #tpu.memory_space<hbm>>
      %dma_wait3A_152 = tpu.memref_squeeze %dma_wait3A_151 : memref<1x49x32xi32, #tpu.memory_space<hbm>> -> memref<49x32xi32, #tpu.memory_space<hbm>>
      %dma_wait3A_153 = arith.constant 0 : i32
      %dma_wait3A_154 = arith.constant 0 : i32
      %dma_wait3A_155 = tpu.memref_slice %arg3[%add3A, %dma_wait3A_153, %dma_wait3A_154] : memref<32x49x32xi32, #tpu.memory_space<hbm>> -> memref<1x49x32xi32, #tpu.memory_space<hbm>>
      %dma_wait3A_156 = tpu.memref_squeeze %dma_wait3A_155 : memref<1x49x32xi32, #tpu.memory_space<hbm>> -> memref<49x32xi32, #tpu.memory_space<hbm>>
      tpu.wait_dma2 semaphore(%run_scoped3A : memref<!tpu.dma_semaphore, #tpu.memory_space<semaphore_mem>>) src(%dma_wait3A_156 : memref<49x32xi32, #tpu.memory_space<hbm>>) dst(%arg5 : memref<49x32xi32, #tpu.memory_space<vmem>>)
      tpu.yield
    }) : () -> ()
    %dma_start3A = arith.constant 0 : i32
    %dma_start3A_3 = arith.constant 0 : i32
    %dma_start3A_4 = arith.constant 0 : i32
    %dma_start3A_5 = arith.constant 0 : i32
    %dma_start3A_6 = arith.constant 0 : i32
    %dma_start3A_7 = tpu.memref_slice %arg6[%dma_start3A_3, %dma_start3A_5, %dma_start3A_6] : memref<4x32x768xf32, #tpu.memory_space<vmem>> -> memref<1x32x768xf32, #tpu.memory_space<vmem>>
    %dma_start3A_8 = tpu.memref_squeeze %dma_start3A_7 : memref<1x32x768xf32, #tpu.memory_space<vmem>> -> memref<32x768xf32, #tpu.memory_space<vmem>>
    %dma_start3A_9 = arith.constant 0 : i32
    %dma_start3A_10 = tpu.memref_slice %arg5[%dma_start3A, %dma_start3A_9] : memref<49x32xi32, #tpu.memory_space<vmem>> -> memref<1x32xi32, #tpu.memory_space<vmem>>
    %dma_start3A_11 = tpu.memref_squeeze %dma_start3A_10 : memref<1x32xi32, #tpu.memory_space<vmem>> -> memref<32xi32, #tpu.memory_space<vmem>>
    %dma_start3A_12 = arith.constant 0 : i32
    %dma_start3A_13 = arith.constant 0 : i32
    %dma_start3A_14 = tpu.memref_slice %arg2[%dma_start3A_12, %dma_start3A_13] : memref<12544x768xf32, #tpu.memory_space<hbm>> -> memref<12544x768xf32, #tpu.memory_space<hbm>>
    %dma_start3A_15 = tpu.memref_slice %arg7[%dma_start3A_4] : memref<4x!tpu.dma_semaphore, #tpu.memory_space<semaphore_mem>> -> memref<1x!tpu.dma_semaphore, #tpu.memory_space<semaphore_mem>>
    %dma_start3A_16 = tpu.memref_squeeze %dma_start3A_15 : memref<1x!tpu.dma_semaphore, #tpu.memory_space<semaphore_mem>> -> memref<!tpu.dma_semaphore, #tpu.memory_space<semaphore_mem>>
    tpu.enqueue_indirect_dma source(%dma_start3A_14 : memref<12544x768xf32, #tpu.memory_space<hbm>>) target(%dma_start3A_8 : memref<32x768xf32, #tpu.memory_space<vmem>>) offsets(%dma_start3A_11 : memref<32xi32, #tpu.memory_space<vmem>>) semaphore(%dma_start3A_16 : memref<!tpu.dma_semaphore, #tpu.memory_space<semaphore_mem>>)
    %dma_start3A_17 = arith.constant 1 : i32
    %dma_start3A_18 = arith.constant 1 : i32
    %dma_start3A_19 = arith.constant 1 : i32
    %dma_start3A_20 = arith.constant 0 : i32
    %dma_start3A_21 = arith.constant 0 : i32
    %dma_start3A_22 = tpu.memref_slice %arg6[%dma_start3A_18, %dma_start3A_20, %dma_start3A_21] : memref<4x32x768xf32, #tpu.memory_space<vmem>> -> memref<1x32x768xf32, #tpu.memory_space<vmem>>
    %dma_start3A_23 = tpu.memref_squeeze %dma_start3A_22 : memref<1x32x768xf32, #tpu.memory_space<vmem>> -> memref<32x768xf32, #tpu.memory_space<vmem>>
    %dma_start3A_24 = arith.constant 0 : i32
    %dma_start3A_25 = tpu.memref_slice %arg5[%dma_start3A_17, %dma_start3A_24] : memref<49x32xi32, #tpu.memory_space<vmem>> -> memref<1x32xi32, #tpu.memory_space<vmem>>
    %dma_start3A_26 = tpu.memref_squeeze %dma_start3A_25 : memref<1x32xi32, #tpu.memory_space<vmem>> -> memref<32xi32, #tpu.memory_space<vmem>>
    %dma_start3A_27 = arith.constant 0 : i32
    %dma_start3A_28 = arith.constant 0 : i32
    %dma_start3A_29 = tpu.memref_slice %arg2[%dma_start3A_27, %dma_start3A_28] : memref<12544x768xf32, #tpu.memory_space<hbm>> -> memref<12544x768xf32, #tpu.memory_space<hbm>>
    %dma_start3A_30 = tpu.memref_slice %arg7[%dma_start3A_19] : memref<4x!tpu.dma_semaphore, #tpu.memory_space<semaphore_mem>> -> memref<1x!tpu.dma_semaphore, #tpu.memory_space<semaphore_mem>>
    %dma_start3A_31 = tpu.memref_squeeze %dma_start3A_30 : memref<1x!tpu.dma_semaphore, #tpu.memory_space<semaphore_mem>> -> memref<!tpu.dma_semaphore, #tpu.memory_space<semaphore_mem>>
    tpu.enqueue_indirect_dma source(%dma_start3A_29 : memref<12544x768xf32, #tpu.memory_space<hbm>>) target(%dma_start3A_23 : memref<32x768xf32, #tpu.memory_space<vmem>>) offsets(%dma_start3A_26 : memref<32xi32, #tpu.memory_space<vmem>>) semaphore(%dma_start3A_31 : memref<!tpu.dma_semaphore, #tpu.memory_space<semaphore_mem>>)
    %scan3A = arith.constant 0 : i32
    %scan3A_32 = arith.constant 0 : i32
    %scan3A_33 = arith.constant 12 : i32
    %scan3A_34 = arith.addi %scan3A_32, %scan3A_33 : i32
    %scan3A_35 = arith.constant 1 : i32
    scf.for %scan3A_141 = %scan3A_32 to %scan3A_34 step %scan3A_35  : i32 {
      %mul3A_142 = arith.constant 4 : i32
      %mul3A_143 = arith.muli %mul3A_142, %scan3A_141 : i32
      %add3A_144 = arith.constant 0 : i32
      %add3A_145 = arith.addi %mul3A_143, %add3A_144 : i32
      %add3A_146 = arith.constant 2 : i32
      %add3A_147 = arith.addi %add3A_145, %add3A_146 : i32
      %lt3A = arith.constant 49 : i32
      %lt3A_148 = arith.cmpi slt, %add3A_147, %lt3A : i32
      %convert_element_type3A = arith.extui %lt3A_148 : i1 to i32
      %cond3A = arith.constant 0 : i32
      %cond3A_149 = arith.cmpi ne, %convert_element_type3A, %cond3A : i32
      scf.if %cond3A_149 {
        %ge3A = arith.constant 4 : i32
        %ge3A_315 = arith.cmpi sge, %add3A_147, %ge3A : i32
        %convert_element_type3A_316 = arith.extui %ge3A_315 : i1 to i32
        %cond3A_317 = arith.constant 0 : i32
        %cond3A_318 = arith.cmpi ne, %convert_element_type3A_316, %cond3A_317 : i32
        scf.if %cond3A_318 {
          %sub3A = arith.constant 4 : i32
          %sub3A_333 = arith.subi %add3A_147, %sub3A : i32
          %mul3A_334 = arith.constant 32 : i32
          %mul3A_335 = arith.muli %sub3A_333, %mul3A_334 : i32
          %add3A_336 = arith.addi %mul3A_2, %mul3A_335 : i32
          %dma_wait3A_337 = arith.constant 2 : i32
          %dma_wait3A_338 = arith.constant 2 : i32
          %dma_wait3A_339 = arith.constant 0 : i32
          %dma_wait3A_340 = arith.constant 0 : i32
          %dma_wait3A_341 = tpu.memref_slice %arg6[%dma_wait3A_337, %dma_wait3A_339, %dma_wait3A_340] : memref<4x32x768xf32, #tpu.memory_space<vmem>> -> memref<1x32x768xf32, #tpu.memory_space<vmem>>
          %dma_wait3A_342 = tpu.memref_squeeze %dma_wait3A_341 : memref<1x32x768xf32, #tpu.memory_space<vmem>> -> memref<32x768xf32, #tpu.memory_space<vmem>>
          %dma_wait3A_343 = arith.constant 0 : i32
          %dma_wait3A_344 = tpu.memref_slice %arg4[%add3A_336, %dma_wait3A_343] : memref<50176x768xf32, #tpu.memory_space<hbm>> -> memref<32x768xf32, #tpu.memory_space<hbm>>
          %dma_wait3A_345 = tpu.memref_slice %arg8[%dma_wait3A_338] : memref<4x!tpu.dma_semaphore, #tpu.memory_space<semaphore_mem>> -> memref<1x!tpu.dma_semaphore, #tpu.memory_space<semaphore_mem>>
          %dma_wait3A_346 = tpu.memref_squeeze %dma_wait3A_345 : memref<1x!tpu.dma_semaphore, #tpu.memory_space<semaphore_mem>> -> memref<!tpu.dma_semaphore, #tpu.memory_space<semaphore_mem>>
          %dma_wait3A_347 = arith.constant 0 : i32
          %dma_wait3A_348 = tpu.memref_slice %arg4[%add3A_336, %dma_wait3A_347] : memref<50176x768xf32, #tpu.memory_space<hbm>> -> memref<32x768xf32, #tpu.memory_space<hbm>>
          %dma_wait3A_349 = arith.constant 0 : i32
          %dma_wait3A_350 = arith.constant 0 : i32
          %dma_wait3A_351 = tpu.memref_slice %arg6[%dma_wait3A_337, %dma_wait3A_349, %dma_wait3A_350] : memref<4x32x768xf32, #tpu.memory_space<vmem>> -> memref<1x32x768xf32, #tpu.memory_space<vmem>>
          %dma_wait3A_352 = tpu.memref_squeeze %dma_wait3A_351 : memref<1x32x768xf32, #tpu.memory_space<vmem>> -> memref<32x768xf32, #tpu.memory_space<vmem>>
          tpu.wait_dma2 semaphore(%dma_wait3A_346 : memref<!tpu.dma_semaphore, #tpu.memory_space<semaphore_mem>>) src(%dma_wait3A_352 : memref<32x768xf32, #tpu.memory_space<vmem>>) dst(%dma_wait3A_348 : memref<32x768xf32, #tpu.memory_space<hbm>>)
        } else {
        }
        %dma_start3A_319 = arith.constant 2 : i32
        %dma_start3A_320 = arith.constant 2 : i32
        %dma_start3A_321 = arith.constant 0 : i32
        %dma_start3A_322 = arith.constant 0 : i32
        %dma_start3A_323 = tpu.memref_slice %arg6[%dma_start3A_319, %dma_start3A_321, %dma_start3A_322] : memref<4x32x768xf32, #tpu.memory_space<vmem>> -> memref<1x32x768xf32, #tpu.memory_space<vmem>>
        %dma_start3A_324 = tpu.memref_squeeze %dma_start3A_323 : memref<1x32x768xf32, #tpu.memory_space<vmem>> -> memref<32x768xf32, #tpu.memory_space<vmem>>
        %dma_start3A_325 = arith.constant 0 : i32
        %dma_start3A_326 = tpu.memref_slice %arg5[%add3A_147, %dma_start3A_325] : memref<49x32xi32, #tpu.memory_space<vmem>> -> memref<1x32xi32, #tpu.memory_space<vmem>>
        %dma_start3A_327 = tpu.memref_squeeze %dma_start3A_326 : memref<1x32xi32, #tpu.memory_space<vmem>> -> memref<32xi32, #tpu.memory_space<vmem>>
        %dma_start3A_328 = arith.constant 0 : i32
        %dma_start3A_329 = arith.constant 0 : i32
        %dma_start3A_330 = tpu.memref_slice %arg2[%dma_start3A_328, %dma_start3A_329] : memref<12544x768xf32, #tpu.memory_space<hbm>> -> memref<12544x768xf32, #tpu.memory_space<hbm>>
        %dma_start3A_331 = tpu.memref_slice %arg7[%dma_start3A_320] : memref<4x!tpu.dma_semaphore, #tpu.memory_space<semaphore_mem>> -> memref<1x!tpu.dma_semaphore, #tpu.memory_space<semaphore_mem>>
        %dma_start3A_332 = tpu.memref_squeeze %dma_start3A_331 : memref<1x!tpu.dma_semaphore, #tpu.memory_space<semaphore_mem>> -> memref<!tpu.dma_semaphore, #tpu.memory_space<semaphore_mem>>
        tpu.enqueue_indirect_dma source(%dma_start3A_330 : memref<12544x768xf32, #tpu.memory_space<hbm>>) target(%dma_start3A_324 : memref<32x768xf32, #tpu.memory_space<vmem>>) offsets(%dma_start3A_327 : memref<32xi32, #tpu.memory_space<vmem>>) semaphore(%dma_start3A_332 : memref<!tpu.dma_semaphore, #tpu.memory_space<semaphore_mem>>)
      } else {
      }
      %dma_wait3A_150 = arith.constant 0 : i32
      %dma_wait3A_151 = arith.constant 0 : i32
      %dma_wait3A_152 = arith.constant 0 : i32
      %dma_wait3A_153 = arith.constant 0 : i32
      %dma_wait3A_154 = tpu.memref_slice %arg6[%dma_wait3A_150, %dma_wait3A_152, %dma_wait3A_153] : memref<4x32x768xf32, #tpu.memory_space<vmem>> -> memref<1x32x768xf32, #tpu.memory_space<vmem>>
      %dma_wait3A_155 = tpu.memref_squeeze %dma_wait3A_154 : memref<1x32x768xf32, #tpu.memory_space<vmem>> -> memref<32x768xf32, #tpu.memory_space<vmem>>
      %dma_wait3A_156 = arith.constant 0 : i32
      %dma_wait3A_157 = tpu.memref_slice %arg5[%add3A_145, %dma_wait3A_156] : memref<49x32xi32, #tpu.memory_space<vmem>> -> memref<1x32xi32, #tpu.memory_space<vmem>>
      %dma_wait3A_158 = tpu.memref_squeeze %dma_wait3A_157 : memref<1x32xi32, #tpu.memory_space<vmem>> -> memref<32xi32, #tpu.memory_space<vmem>>
      %dma_wait3A_159 = arith.constant 0 : i32
      %dma_wait3A_160 = arith.constant 0 : i32
      %dma_wait3A_161 = tpu.memref_slice %arg2[%dma_wait3A_159, %dma_wait3A_160] : memref<12544x768xf32, #tpu.memory_space<hbm>> -> memref<12544x768xf32, #tpu.memory_space<hbm>>
      %dma_wait3A_162 = tpu.memref_slice %arg7[%dma_wait3A_151] : memref<4x!tpu.dma_semaphore, #tpu.memory_space<semaphore_mem>> -> memref<1x!tpu.dma_semaphore, #tpu.memory_space<semaphore_mem>>
      %dma_wait3A_163 = tpu.memref_squeeze %dma_wait3A_162 : memref<1x!tpu.dma_semaphore, #tpu.memory_space<semaphore_mem>> -> memref<!tpu.dma_semaphore, #tpu.memory_space<semaphore_mem>>
      tpu.wait_indirect_dma semaphore(%dma_wait3A_163 : memref<!tpu.dma_semaphore, #tpu.memory_space<semaphore_mem>>) src(%dma_wait3A_161 : memref<12544x768xf32, #tpu.memory_space<hbm>>) dst(%dma_wait3A_155 : memref<32x768xf32, #tpu.memory_space<vmem>>)
      %mul3A_164 = arith.constant 32 : i32
      %mul3A_165 = arith.muli %add3A_145, %mul3A_164 : i32
      %add3A_166 = arith.addi %mul3A_2, %mul3A_165 : i32
      %dma_start3A_167 = arith.constant 0 : i32
      %dma_start3A_168 = arith.constant 0 : i32
      %dma_start3A_169 = arith.constant 0 : i32
      %dma_start3A_170 = arith.constant 0 : i32
      %dma_start3A_171 = tpu.memref_slice %arg6[%dma_start3A_167, %dma_start3A_169, %dma_start3A_170] : memref<4x32x768xf32, #tpu.memory_space<vmem>> -> memref<1x32x768xf32, #tpu.memory_space<vmem>>
      %dma_start3A_172 = tpu.memref_squeeze %dma_start3A_171 : memref<1x32x768xf32, #tpu.memory_space<vmem>> -> memref<32x768xf32, #tpu.memory_space<vmem>>
      %dma_start3A_173 = arith.constant 0 : i32
      %dma_start3A_174 = tpu.memref_slice %arg4[%add3A_166, %dma_start3A_173] : memref<50176x768xf32, #tpu.memory_space<hbm>> -> memref<32x768xf32, #tpu.memory_space<hbm>>
      %dma_start3A_175 = tpu.memref_slice %arg8[%dma_start3A_168] : memref<4x!tpu.dma_semaphore, #tpu.memory_space<semaphore_mem>> -> memref<1x!tpu.dma_semaphore, #tpu.memory_space<semaphore_mem>>
      %dma_start3A_176 = tpu.memref_squeeze %dma_start3A_175 : memref<1x!tpu.dma_semaphore, #tpu.memory_space<semaphore_mem>> -> memref<!tpu.dma_semaphore, #tpu.memory_space<semaphore_mem>>
      %dma_start3A_177 = arith.constant 0 : i32
      %dma_start3A_178 = tpu.memref_slice %arg4[%add3A_166, %dma_start3A_177] : memref<50176x768xf32, #tpu.memory_space<hbm>> -> memref<32x768xf32, #tpu.memory_space<hbm>>
      %dma_start3A_179 = arith.constant 0 : i32
      %dma_start3A_180 = arith.constant 0 : i32
      %dma_start3A_181 = tpu.memref_slice %arg6[%dma_start3A_167, %dma_start3A_179, %dma_start3A_180] : memref<4x32x768xf32, #tpu.memory_space<vmem>> -> memref<1x32x768xf32, #tpu.memory_space<vmem>>
      %dma_start3A_182 = tpu.memref_squeeze %dma_start3A_181 : memref<1x32x768xf32, #tpu.memory_space<vmem>> -> memref<32x768xf32, #tpu.memory_space<vmem>>
      tpu.enqueue_dma source(%dma_start3A_182 : memref<32x768xf32, #tpu.memory_space<vmem>>) target(%dma_start3A_178 : memref<32x768xf32, #tpu.memory_space<hbm>>) target_semaphore(%dma_start3A_176 : memref<!tpu.dma_semaphore, #tpu.memory_space<semaphore_mem>>)
      %mul3A_183 = arith.constant 4 : i32
      %mul3A_184 = arith.muli %mul3A_183, %scan3A_141 : i32
      %add3A_185 = arith.constant 1 : i32
      %add3A_186 = arith.addi %mul3A_184, %add3A_185 : i32
      %add3A_187 = arith.constant 2 : i32
      %add3A_188 = arith.addi %add3A_186, %add3A_187 : i32
      %lt3A_189 = arith.constant 49 : i32
      %lt3A_190 = arith.cmpi slt, %add3A_188, %lt3A_189 : i32
      %convert_element_type3A_191 = arith.extui %lt3A_190 : i1 to i32
      %cond3A_192 = arith.constant 0 : i32
      %cond3A_193 = arith.cmpi ne, %convert_element_type3A_191, %cond3A_192 : i32
      scf.if %cond3A_193 {
        %ge3A = arith.constant 4 : i32
        %ge3A_315 = arith.cmpi sge, %add3A_188, %ge3A : i32
        %convert_element_type3A_316 = arith.extui %ge3A_315 : i1 to i32
        %cond3A_317 = arith.constant 0 : i32
        %cond3A_318 = arith.cmpi ne, %convert_element_type3A_316, %cond3A_317 : i32
        scf.if %cond3A_318 {
          %sub3A = arith.constant 4 : i32
          %sub3A_333 = arith.subi %add3A_188, %sub3A : i32
          %mul3A_334 = arith.constant 32 : i32
          %mul3A_335 = arith.muli %sub3A_333, %mul3A_334 : i32
          %add3A_336 = arith.addi %mul3A_2, %mul3A_335 : i32
          %dma_wait3A_337 = arith.constant 3 : i32
          %dma_wait3A_338 = arith.constant 3 : i32
          %dma_wait3A_339 = arith.constant 0 : i32
          %dma_wait3A_340 = arith.constant 0 : i32
          %dma_wait3A_341 = tpu.memref_slice %arg6[%dma_wait3A_337, %dma_wait3A_339, %dma_wait3A_340] : memref<4x32x768xf32, #tpu.memory_space<vmem>> -> memref<1x32x768xf32, #tpu.memory_space<vmem>>
          %dma_wait3A_342 = tpu.memref_squeeze %dma_wait3A_341 : memref<1x32x768xf32, #tpu.memory_space<vmem>> -> memref<32x768xf32, #tpu.memory_space<vmem>>
          %dma_wait3A_343 = arith.constant 0 : i32
          %dma_wait3A_344 = tpu.memref_slice %arg4[%add3A_336, %dma_wait3A_343] : memref<50176x768xf32, #tpu.memory_space<hbm>> -> memref<32x768xf32, #tpu.memory_space<hbm>>
          %dma_wait3A_345 = tpu.memref_slice %arg8[%dma_wait3A_338] : memref<4x!tpu.dma_semaphore, #tpu.memory_space<semaphore_mem>> -> memref<1x!tpu.dma_semaphore, #tpu.memory_space<semaphore_mem>>
          %dma_wait3A_346 = tpu.memref_squeeze %dma_wait3A_345 : memref<1x!tpu.dma_semaphore, #tpu.memory_space<semaphore_mem>> -> memref<!tpu.dma_semaphore, #tpu.memory_space<semaphore_mem>>
          %dma_wait3A_347 = arith.constant 0 : i32
          %dma_wait3A_348 = tpu.memref_slice %arg4[%add3A_336, %dma_wait3A_347] : memref<50176x768xf32, #tpu.memory_space<hbm>> -> memref<32x768xf32, #tpu.memory_space<hbm>>
          %dma_wait3A_349 = arith.constant 0 : i32
          %dma_wait3A_350 = arith.constant 0 : i32
          %dma_wait3A_351 = tpu.memref_slice %arg6[%dma_wait3A_337, %dma_wait3A_349, %dma_wait3A_350] : memref<4x32x768xf32, #tpu.memory_space<vmem>> -> memref<1x32x768xf32, #tpu.memory_space<vmem>>
          %dma_wait3A_352 = tpu.memref_squeeze %dma_wait3A_351 : memref<1x32x768xf32, #tpu.memory_space<vmem>> -> memref<32x768xf32, #tpu.memory_space<vmem>>
          tpu.wait_dma2 semaphore(%dma_wait3A_346 : memref<!tpu.dma_semaphore, #tpu.memory_space<semaphore_mem>>) src(%dma_wait3A_352 : memref<32x768xf32, #tpu.memory_space<vmem>>) dst(%dma_wait3A_348 : memref<32x768xf32, #tpu.memory_space<hbm>>)
        } else {
        }
        %dma_start3A_319 = arith.constant 3 : i32
        %dma_start3A_320 = arith.constant 3 : i32
        %dma_start3A_321 = arith.constant 0 : i32
        %dma_start3A_322 = arith.constant 0 : i32
        %dma_start3A_323 = tpu.memref_slice %arg6[%dma_start3A_319, %dma_start3A_321, %dma_start3A_322] : memref<4x32x768xf32, #tpu.memory_space<vmem>> -> memref<1x32x768xf32, #tpu.memory_space<vmem>>
        %dma_start3A_324 = tpu.memref_squeeze %dma_start3A_323 : memref<1x32x768xf32, #tpu.memory_space<vmem>> -> memref<32x768xf32, #tpu.memory_space<vmem>>
        %dma_start3A_325 = arith.constant 0 : i32
        %dma_start3A_326 = tpu.memref_slice %arg5[%add3A_188, %dma_start3A_325] : memref<49x32xi32, #tpu.memory_space<vmem>> -> memref<1x32xi32, #tpu.memory_space<vmem>>
        %dma_start3A_327 = tpu.memref_squeeze %dma_start3A_326 : memref<1x32xi32, #tpu.memory_space<vmem>> -> memref<32xi32, #tpu.memory_space<vmem>>
        %dma_start3A_328 = arith.constant 0 : i32
        %dma_start3A_329 = arith.constant 0 : i32
        %dma_start3A_330 = tpu.memref_slice %arg2[%dma_start3A_328, %dma_start3A_329] : memref<12544x768xf32, #tpu.memory_space<hbm>> -> memref<12544x768xf32, #tpu.memory_space<hbm>>
        %dma_start3A_331 = tpu.memref_slice %arg7[%dma_start3A_320] : memref<4x!tpu.dma_semaphore, #tpu.memory_space<semaphore_mem>> -> memref<1x!tpu.dma_semaphore, #tpu.memory_space<semaphore_mem>>
        %dma_start3A_332 = tpu.memref_squeeze %dma_start3A_331 : memref<1x!tpu.dma_semaphore, #tpu.memory_space<semaphore_mem>> -> memref<!tpu.dma_semaphore, #tpu.memory_space<semaphore_mem>>
        tpu.enqueue_indirect_dma source(%dma_start3A_330 : memref<12544x768xf32, #tpu.memory_space<hbm>>) target(%dma_start3A_324 : memref<32x768xf32, #tpu.memory_space<vmem>>) offsets(%dma_start3A_327 : memref<32xi32, #tpu.memory_space<vmem>>) semaphore(%dma_start3A_332 : memref<!tpu.dma_semaphore, #tpu.memory_space<semaphore_mem>>)
      } else {
      }
      %dma_wait3A_194 = arith.constant 1 : i32
      %dma_wait3A_195 = arith.constant 1 : i32
      %dma_wait3A_196 = arith.constant 0 : i32
      %dma_wait3A_197 = arith.constant 0 : i32
      %dma_wait3A_198 = tpu.memref_slice %arg6[%dma_wait3A_194, %dma_wait3A_196, %dma_wait3A_197] : memref<4x32x768xf32, #tpu.memory_space<vmem>> -> memref<1x32x768xf32, #tpu.memory_space<vmem>>
      %dma_wait3A_199 = tpu.memref_squeeze %dma_wait3A_198 : memref<1x32x768xf32, #tpu.memory_space<vmem>> -> memref<32x768xf32, #tpu.memory_space<vmem>>
      %dma_wait3A_200 = arith.constant 0 : i32
      %dma_wait3A_201 = tpu.memref_slice %arg5[%add3A_186, %dma_wait3A_200] : memref<49x32xi32, #tpu.memory_space<vmem>> -> memref<1x32xi32, #tpu.memory_space<vmem>>
      %dma_wait3A_202 = tpu.memref_squeeze %dma_wait3A_201 : memref<1x32xi32, #tpu.memory_space<vmem>> -> memref<32xi32, #tpu.memory_space<vmem>>
      %dma_wait3A_203 = arith.constant 0 : i32
      %dma_wait3A_204 = arith.constant 0 : i32
      %dma_wait3A_205 = tpu.memref_slice %arg2[%dma_wait3A_203, %dma_wait3A_204] : memref<12544x768xf32, #tpu.memory_space<hbm>> -> memref<12544x768xf32, #tpu.memory_space<hbm>>
      %dma_wait3A_206 = tpu.memref_slice %arg7[%dma_wait3A_195] : memref<4x!tpu.dma_semaphore, #tpu.memory_space<semaphore_mem>> -> memref<1x!tpu.dma_semaphore, #tpu.memory_space<semaphore_mem>>
      %dma_wait3A_207 = tpu.memref_squeeze %dma_wait3A_206 : memref<1x!tpu.dma_semaphore, #tpu.memory_space<semaphore_mem>> -> memref<!tpu.dma_semaphore, #tpu.memory_space<semaphore_mem>>
      tpu.wait_indirect_dma semaphore(%dma_wait3A_207 : memref<!tpu.dma_semaphore, #tpu.memory_space<semaphore_mem>>) src(%dma_wait3A_205 : memref<12544x768xf32, #tpu.memory_space<hbm>>) dst(%dma_wait3A_199 : memref<32x768xf32, #tpu.memory_space<vmem>>)
      %mul3A_208 = arith.constant 32 : i32
      %mul3A_209 = arith.muli %add3A_186, %mul3A_208 : i32
      %add3A_210 = arith.addi %mul3A_2, %mul3A_209 : i32
      %dma_start3A_211 = arith.constant 1 : i32
      %dma_start3A_212 = arith.constant 1 : i32
      %dma_start3A_213 = arith.constant 0 : i32
      %dma_start3A_214 = arith.constant 0 : i32
      %dma_start3A_215 = tpu.memref_slice %arg6[%dma_start3A_211, %dma_start3A_213, %dma_start3A_214] : memref<4x32x768xf32, #tpu.memory_space<vmem>> -> memref<1x32x768xf32, #tpu.memory_space<vmem>>
      %dma_start3A_216 = tpu.memref_squeeze %dma_start3A_215 : memref<1x32x768xf32, #tpu.memory_space<vmem>> -> memref<32x768xf32, #tpu.memory_space<vmem>>
      %dma_start3A_217 = arith.constant 0 : i32
      %dma_start3A_218 = tpu.memref_slice %arg4[%add3A_210, %dma_start3A_217] : memref<50176x768xf32, #tpu.memory_space<hbm>> -> memref<32x768xf32, #tpu.memory_space<hbm>>
      %dma_start3A_219 = tpu.memref_slice %arg8[%dma_start3A_212] : memref<4x!tpu.dma_semaphore, #tpu.memory_space<semaphore_mem>> -> memref<1x!tpu.dma_semaphore, #tpu.memory_space<semaphore_mem>>
      %dma_start3A_220 = tpu.memref_squeeze %dma_start3A_219 : memref<1x!tpu.dma_semaphore, #tpu.memory_space<semaphore_mem>> -> memref<!tpu.dma_semaphore, #tpu.memory_space<semaphore_mem>>
      %dma_start3A_221 = arith.constant 0 : i32
      %dma_start3A_222 = tpu.memref_slice %arg4[%add3A_210, %dma_start3A_221] : memref<50176x768xf32, #tpu.memory_space<hbm>> -> memref<32x768xf32, #tpu.memory_space<hbm>>
      %dma_start3A_223 = arith.constant 0 : i32
      %dma_start3A_224 = arith.constant 0 : i32
      %dma_start3A_225 = tpu.memref_slice %arg6[%dma_start3A_211, %dma_start3A_223, %dma_start3A_224] : memref<4x32x768xf32, #tpu.memory_space<vmem>> -> memref<1x32x768xf32, #tpu.memory_space<vmem>>
      %dma_start3A_226 = tpu.memref_squeeze %dma_start3A_225 : memref<1x32x768xf32, #tpu.memory_space<vmem>> -> memref<32x768xf32, #tpu.memory_space<vmem>>
      tpu.enqueue_dma source(%dma_start3A_226 : memref<32x768xf32, #tpu.memory_space<vmem>>) target(%dma_start3A_222 : memref<32x768xf32, #tpu.memory_space<hbm>>) target_semaphore(%dma_start3A_220 : memref<!tpu.dma_semaphore, #tpu.memory_space<semaphore_mem>>)
      %mul3A_227 = arith.constant 4 : i32
      %mul3A_228 = arith.muli %mul3A_227, %scan3A_141 : i32
      %add3A_229 = arith.constant 2 : i32
      %add3A_230 = arith.addi %mul3A_228, %add3A_229 : i32
      %add3A_231 = arith.constant 2 : i32
      %add3A_232 = arith.addi %add3A_230, %add3A_231 : i32
      %lt3A_233 = arith.constant 49 : i32
      %lt3A_234 = arith.cmpi slt, %add3A_232, %lt3A_233 : i32
      %convert_element_type3A_235 = arith.extui %lt3A_234 : i1 to i32
      %cond3A_236 = arith.constant 0 : i32
      %cond3A_237 = arith.cmpi ne, %convert_element_type3A_235, %cond3A_236 : i32
      scf.if %cond3A_237 {
        %ge3A = arith.constant 4 : i32
        %ge3A_315 = arith.cmpi sge, %add3A_232, %ge3A : i32
        %convert_element_type3A_316 = arith.extui %ge3A_315 : i1 to i32
        %cond3A_317 = arith.constant 0 : i32
        %cond3A_318 = arith.cmpi ne, %convert_element_type3A_316, %cond3A_317 : i32
        scf.if %cond3A_318 {
          %sub3A = arith.constant 4 : i32
          %sub3A_333 = arith.subi %add3A_232, %sub3A : i32
          %mul3A_334 = arith.constant 32 : i32
          %mul3A_335 = arith.muli %sub3A_333, %mul3A_334 : i32
          %add3A_336 = arith.addi %mul3A_2, %mul3A_335 : i32
          %dma_wait3A_337 = arith.constant 0 : i32
          %dma_wait3A_338 = arith.constant 0 : i32
          %dma_wait3A_339 = arith.constant 0 : i32
          %dma_wait3A_340 = arith.constant 0 : i32
          %dma_wait3A_341 = tpu.memref_slice %arg6[%dma_wait3A_337, %dma_wait3A_339, %dma_wait3A_340] : memref<4x32x768xf32, #tpu.memory_space<vmem>> -> memref<1x32x768xf32, #tpu.memory_space<vmem>>
          %dma_wait3A_342 = tpu.memref_squeeze %dma_wait3A_341 : memref<1x32x768xf32, #tpu.memory_space<vmem>> -> memref<32x768xf32, #tpu.memory_space<vmem>>
          %dma_wait3A_343 = arith.constant 0 : i32
          %dma_wait3A_344 = tpu.memref_slice %arg4[%add3A_336, %dma_wait3A_343] : memref<50176x768xf32, #tpu.memory_space<hbm>> -> memref<32x768xf32, #tpu.memory_space<hbm>>
          %dma_wait3A_345 = tpu.memref_slice %arg8[%dma_wait3A_338] : memref<4x!tpu.dma_semaphore, #tpu.memory_space<semaphore_mem>> -> memref<1x!tpu.dma_semaphore, #tpu.memory_space<semaphore_mem>>
          %dma_wait3A_346 = tpu.memref_squeeze %dma_wait3A_345 : memref<1x!tpu.dma_semaphore, #tpu.memory_space<semaphore_mem>> -> memref<!tpu.dma_semaphore, #tpu.memory_space<semaphore_mem>>
          %dma_wait3A_347 = arith.constant 0 : i32
          %dma_wait3A_348 = tpu.memref_slice %arg4[%add3A_336, %dma_wait3A_347] : memref<50176x768xf32, #tpu.memory_space<hbm>> -> memref<32x768xf32, #tpu.memory_space<hbm>>
          %dma_wait3A_349 = arith.constant 0 : i32
          %dma_wait3A_350 = arith.constant 0 : i32
          %dma_wait3A_351 = tpu.memref_slice %arg6[%dma_wait3A_337, %dma_wait3A_349, %dma_wait3A_350] : memref<4x32x768xf32, #tpu.memory_space<vmem>> -> memref<1x32x768xf32, #tpu.memory_space<vmem>>
          %dma_wait3A_352 = tpu.memref_squeeze %dma_wait3A_351 : memref<1x32x768xf32, #tpu.memory_space<vmem>> -> memref<32x768xf32, #tpu.memory_space<vmem>>
          tpu.wait_dma2 semaphore(%dma_wait3A_346 : memref<!tpu.dma_semaphore, #tpu.memory_space<semaphore_mem>>) src(%dma_wait3A_352 : memref<32x768xf32, #tpu.memory_space<vmem>>) dst(%dma_wait3A_348 : memref<32x768xf32, #tpu.memory_space<hbm>>)
        } else {
        }
        %dma_start3A_319 = arith.constant 0 : i32
        %dma_start3A_320 = arith.constant 0 : i32
        %dma_start3A_321 = arith.constant 0 : i32
        %dma_start3A_322 = arith.constant 0 : i32
        %dma_start3A_323 = tpu.memref_slice %arg6[%dma_start3A_319, %dma_start3A_321, %dma_start3A_322] : memref<4x32x768xf32, #tpu.memory_space<vmem>> -> memref<1x32x768xf32, #tpu.memory_space<vmem>>
        %dma_start3A_324 = tpu.memref_squeeze %dma_start3A_323 : memref<1x32x768xf32, #tpu.memory_space<vmem>> -> memref<32x768xf32, #tpu.memory_space<vmem>>
        %dma_start3A_325 = arith.constant 0 : i32
        %dma_start3A_326 = tpu.memref_slice %arg5[%add3A_232, %dma_start3A_325] : memref<49x32xi32, #tpu.memory_space<vmem>> -> memref<1x32xi32, #tpu.memory_space<vmem>>
        %dma_start3A_327 = tpu.memref_squeeze %dma_start3A_326 : memref<1x32xi32, #tpu.memory_space<vmem>> -> memref<32xi32, #tpu.memory_space<vmem>>
        %dma_start3A_328 = arith.constant 0 : i32
        %dma_start3A_329 = arith.constant 0 : i32
        %dma_start3A_330 = tpu.memref_slice %arg2[%dma_start3A_328, %dma_start3A_329] : memref<12544x768xf32, #tpu.memory_space<hbm>> -> memref<12544x768xf32, #tpu.memory_space<hbm>>
        %dma_start3A_331 = tpu.memref_slice %arg7[%dma_start3A_320] : memref<4x!tpu.dma_semaphore, #tpu.memory_space<semaphore_mem>> -> memref<1x!tpu.dma_semaphore, #tpu.memory_space<semaphore_mem>>
        %dma_start3A_332 = tpu.memref_squeeze %dma_start3A_331 : memref<1x!tpu.dma_semaphore, #tpu.memory_space<semaphore_mem>> -> memref<!tpu.dma_semaphore, #tpu.memory_space<semaphore_mem>>
        tpu.enqueue_indirect_dma source(%dma_start3A_330 : memref<12544x768xf32, #tpu.memory_space<hbm>>) target(%dma_start3A_324 : memref<32x768xf32, #tpu.memory_space<vmem>>) offsets(%dma_start3A_327 : memref<32xi32, #tpu.memory_space<vmem>>) semaphore(%dma_start3A_332 : memref<!tpu.dma_semaphore, #tpu.memory_space<semaphore_mem>>)
      } else {
      }
      %dma_wait3A_238 = arith.constant 2 : i32
      %dma_wait3A_239 = arith.constant 2 : i32
      %dma_wait3A_240 = arith.constant 0 : i32
      %dma_wait3A_241 = arith.constant 0 : i32
      %dma_wait3A_242 = tpu.memref_slice %arg6[%dma_wait3A_238, %dma_wait3A_240, %dma_wait3A_241] : memref<4x32x768xf32, #tpu.memory_space<vmem>> -> memref<1x32x768xf32, #tpu.memory_space<vmem>>
      %dma_wait3A_243 = tpu.memref_squeeze %dma_wait3A_242 : memref<1x32x768xf32, #tpu.memory_space<vmem>> -> memref<32x768xf32, #tpu.memory_space<vmem>>
      %dma_wait3A_244 = arith.constant 0 : i32
      %dma_wait3A_245 = tpu.memref_slice %arg5[%add3A_230, %dma_wait3A_244] : memref<49x32xi32, #tpu.memory_space<vmem>> -> memref<1x32xi32, #tpu.memory_space<vmem>>
      %dma_wait3A_246 = tpu.memref_squeeze %dma_wait3A_245 : memref<1x32xi32, #tpu.memory_space<vmem>> -> memref<32xi32, #tpu.memory_space<vmem>>
      %dma_wait3A_247 = arith.constant 0 : i32
      %dma_wait3A_248 = arith.constant 0 : i32
      %dma_wait3A_249 = tpu.memref_slice %arg2[%dma_wait3A_247, %dma_wait3A_248] : memref<12544x768xf32, #tpu.memory_space<hbm>> -> memref<12544x768xf32, #tpu.memory_space<hbm>>
      %dma_wait3A_250 = tpu.memref_slice %arg7[%dma_wait3A_239] : memref<4x!tpu.dma_semaphore, #tpu.memory_space<semaphore_mem>> -> memref<1x!tpu.dma_semaphore, #tpu.memory_space<semaphore_mem>>
      %dma_wait3A_251 = tpu.memref_squeeze %dma_wait3A_250 : memref<1x!tpu.dma_semaphore, #tpu.memory_space<semaphore_mem>> -> memref<!tpu.dma_semaphore, #tpu.memory_space<semaphore_mem>>
      tpu.wait_indirect_dma semaphore(%dma_wait3A_251 : memref<!tpu.dma_semaphore, #tpu.memory_space<semaphore_mem>>) src(%dma_wait3A_249 : memref<12544x768xf32, #tpu.memory_space<hbm>>) dst(%dma_wait3A_243 : memref<32x768xf32, #tpu.memory_space<vmem>>)
      %mul3A_252 = arith.constant 32 : i32
      %mul3A_253 = arith.muli %add3A_230, %mul3A_252 : i32
      %add3A_254 = arith.addi %mul3A_2, %mul3A_253 : i32
      %dma_start3A_255 = arith.constant 2 : i32
      %dma_start3A_256 = arith.constant 2 : i32
      %dma_start3A_257 = arith.constant 0 : i32
      %dma_start3A_258 = arith.constant 0 : i32
      %dma_start3A_259 = tpu.memref_slice %arg6[%dma_start3A_255, %dma_start3A_257, %dma_start3A_258] : memref<4x32x768xf32, #tpu.memory_space<vmem>> -> memref<1x32x768xf32, #tpu.memory_space<vmem>>
      %dma_start3A_260 = tpu.memref_squeeze %dma_start3A_259 : memref<1x32x768xf32, #tpu.memory_space<vmem>> -> memref<32x768xf32, #tpu.memory_space<vmem>>
      %dma_start3A_261 = arith.constant 0 : i32
      %dma_start3A_262 = tpu.memref_slice %arg4[%add3A_254, %dma_start3A_261] : memref<50176x768xf32, #tpu.memory_space<hbm>> -> memref<32x768xf32, #tpu.memory_space<hbm>>
      %dma_start3A_263 = tpu.memref_slice %arg8[%dma_start3A_256] : memref<4x!tpu.dma_semaphore, #tpu.memory_space<semaphore_mem>> -> memref<1x!tpu.dma_semaphore, #tpu.memory_space<semaphore_mem>>
      %dma_start3A_264 = tpu.memref_squeeze %dma_start3A_263 : memref<1x!tpu.dma_semaphore, #tpu.memory_space<semaphore_mem>> -> memref<!tpu.dma_semaphore, #tpu.memory_space<semaphore_mem>>
      %dma_start3A_265 = arith.constant 0 : i32
      %dma_start3A_266 = tpu.memref_slice %arg4[%add3A_254, %dma_start3A_265] : memref<50176x768xf32, #tpu.memory_space<hbm>> -> memref<32x768xf32, #tpu.memory_space<hbm>>
      %dma_start3A_267 = arith.constant 0 : i32
      %dma_start3A_268 = arith.constant 0 : i32
      %dma_start3A_269 = tpu.memref_slice %arg6[%dma_start3A_255, %dma_start3A_267, %dma_start3A_268] : memref<4x32x768xf32, #tpu.memory_space<vmem>> -> memref<1x32x768xf32, #tpu.memory_space<vmem>>
      %dma_start3A_270 = tpu.memref_squeeze %dma_start3A_269 : memref<1x32x768xf32, #tpu.memory_space<vmem>> -> memref<32x768xf32, #tpu.memory_space<vmem>>
      tpu.enqueue_dma source(%dma_start3A_270 : memref<32x768xf32, #tpu.memory_space<vmem>>) target(%dma_start3A_266 : memref<32x768xf32, #tpu.memory_space<hbm>>) target_semaphore(%dma_start3A_264 : memref<!tpu.dma_semaphore, #tpu.memory_space<semaphore_mem>>)
      %mul3A_271 = arith.constant 4 : i32
      %mul3A_272 = arith.muli %mul3A_271, %scan3A_141 : i32
      %add3A_273 = arith.constant 3 : i32
      %add3A_274 = arith.addi %mul3A_272, %add3A_273 : i32
      %add3A_275 = arith.constant 2 : i32
      %add3A_276 = arith.addi %add3A_274, %add3A_275 : i32
      %lt3A_277 = arith.constant 49 : i32
      %lt3A_278 = arith.cmpi slt, %add3A_276, %lt3A_277 : i32
      %convert_element_type3A_279 = arith.extui %lt3A_278 : i1 to i32
      %cond3A_280 = arith.constant 0 : i32
      %cond3A_281 = arith.cmpi ne, %convert_element_type3A_279, %cond3A_280 : i32
      scf.if %cond3A_281 {
        %ge3A = arith.constant 4 : i32
        %ge3A_315 = arith.cmpi sge, %add3A_276, %ge3A : i32
        %convert_element_type3A_316 = arith.extui %ge3A_315 : i1 to i32
        %cond3A_317 = arith.constant 0 : i32
        %cond3A_318 = arith.cmpi ne, %convert_element_type3A_316, %cond3A_317 : i32
        scf.if %cond3A_318 {
          %sub3A = arith.constant 4 : i32
          %sub3A_333 = arith.subi %add3A_276, %sub3A : i32
          %mul3A_334 = arith.constant 32 : i32
          %mul3A_335 = arith.muli %sub3A_333, %mul3A_334 : i32
          %add3A_336 = arith.addi %mul3A_2, %mul3A_335 : i32
          %dma_wait3A_337 = arith.constant 1 : i32
          %dma_wait3A_338 = arith.constant 1 : i32
          %dma_wait3A_339 = arith.constant 0 : i32
          %dma_wait3A_340 = arith.constant 0 : i32
          %dma_wait3A_341 = tpu.memref_slice %arg6[%dma_wait3A_337, %dma_wait3A_339, %dma_wait3A_340] : memref<4x32x768xf32, #tpu.memory_space<vmem>> -> memref<1x32x768xf32, #tpu.memory_space<vmem>>
          %dma_wait3A_342 = tpu.memref_squeeze %dma_wait3A_341 : memref<1x32x768xf32, #tpu.memory_space<vmem>> -> memref<32x768xf32, #tpu.memory_space<vmem>>
          %dma_wait3A_343 = arith.constant 0 : i32
          %dma_wait3A_344 = tpu.memref_slice %arg4[%add3A_336, %dma_wait3A_343] : memref<50176x768xf32, #tpu.memory_space<hbm>> -> memref<32x768xf32, #tpu.memory_space<hbm>>
          %dma_wait3A_345 = tpu.memref_slice %arg8[%dma_wait3A_338] : memref<4x!tpu.dma_semaphore, #tpu.memory_space<semaphore_mem>> -> memref<1x!tpu.dma_semaphore, #tpu.memory_space<semaphore_mem>>
          %dma_wait3A_346 = tpu.memref_squeeze %dma_wait3A_345 : memref<1x!tpu.dma_semaphore, #tpu.memory_space<semaphore_mem>> -> memref<!tpu.dma_semaphore, #tpu.memory_space<semaphore_mem>>
          %dma_wait3A_347 = arith.constant 0 : i32
          %dma_wait3A_348 = tpu.memref_slice %arg4[%add3A_336, %dma_wait3A_347] : memref<50176x768xf32, #tpu.memory_space<hbm>> -> memref<32x768xf32, #tpu.memory_space<hbm>>
          %dma_wait3A_349 = arith.constant 0 : i32
          %dma_wait3A_350 = arith.constant 0 : i32
          %dma_wait3A_351 = tpu.memref_slice %arg6[%dma_wait3A_337, %dma_wait3A_349, %dma_wait3A_350] : memref<4x32x768xf32, #tpu.memory_space<vmem>> -> memref<1x32x768xf32, #tpu.memory_space<vmem>>
          %dma_wait3A_352 = tpu.memref_squeeze %dma_wait3A_351 : memref<1x32x768xf32, #tpu.memory_space<vmem>> -> memref<32x768xf32, #tpu.memory_space<vmem>>
          tpu.wait_dma2 semaphore(%dma_wait3A_346 : memref<!tpu.dma_semaphore, #tpu.memory_space<semaphore_mem>>) src(%dma_wait3A_352 : memref<32x768xf32, #tpu.memory_space<vmem>>) dst(%dma_wait3A_348 : memref<32x768xf32, #tpu.memory_space<hbm>>)
        } else {
        }
        %dma_start3A_319 = arith.constant 1 : i32
        %dma_start3A_320 = arith.constant 1 : i32
        %dma_start3A_321 = arith.constant 0 : i32
        %dma_start3A_322 = arith.constant 0 : i32
        %dma_start3A_323 = tpu.memref_slice %arg6[%dma_start3A_319, %dma_start3A_321, %dma_start3A_322] : memref<4x32x768xf32, #tpu.memory_space<vmem>> -> memref<1x32x768xf32, #tpu.memory_space<vmem>>
        %dma_start3A_324 = tpu.memref_squeeze %dma_start3A_323 : memref<1x32x768xf32, #tpu.memory_space<vmem>> -> memref<32x768xf32, #tpu.memory_space<vmem>>
        %dma_start3A_325 = arith.constant 0 : i32
        %dma_start3A_326 = tpu.memref_slice %arg5[%add3A_276, %dma_start3A_325] : memref<49x32xi32, #tpu.memory_space<vmem>> -> memref<1x32xi32, #tpu.memory_space<vmem>>
        %dma_start3A_327 = tpu.memref_squeeze %dma_start3A_326 : memref<1x32xi32, #tpu.memory_space<vmem>> -> memref<32xi32, #tpu.memory_space<vmem>>
        %dma_start3A_328 = arith.constant 0 : i32
        %dma_start3A_329 = arith.constant 0 : i32
        %dma_start3A_330 = tpu.memref_slice %arg2[%dma_start3A_328, %dma_start3A_329] : memref<12544x768xf32, #tpu.memory_space<hbm>> -> memref<12544x768xf32, #tpu.memory_space<hbm>>
        %dma_start3A_331 = tpu.memref_slice %arg7[%dma_start3A_320] : memref<4x!tpu.dma_semaphore, #tpu.memory_space<semaphore_mem>> -> memref<1x!tpu.dma_semaphore, #tpu.memory_space<semaphore_mem>>
        %dma_start3A_332 = tpu.memref_squeeze %dma_start3A_331 : memref<1x!tpu.dma_semaphore, #tpu.memory_space<semaphore_mem>> -> memref<!tpu.dma_semaphore, #tpu.memory_space<semaphore_mem>>
        tpu.enqueue_indirect_dma source(%dma_start3A_330 : memref<12544x768xf32, #tpu.memory_space<hbm>>) target(%dma_start3A_324 : memref<32x768xf32, #tpu.memory_space<vmem>>) offsets(%dma_start3A_327 : memref<32xi32, #tpu.memory_space<vmem>>) semaphore(%dma_start3A_332 : memref<!tpu.dma_semaphore, #tpu.memory_space<semaphore_mem>>)
      } else {
      }
      %dma_wait3A_282 = arith.constant 3 : i32
      %dma_wait3A_283 = arith.constant 3 : i32
      %dma_wait3A_284 = arith.constant 0 : i32
      %dma_wait3A_285 = arith.constant 0 : i32
      %dma_wait3A_286 = tpu.memref_slice %arg6[%dma_wait3A_282, %dma_wait3A_284, %dma_wait3A_285] : memref<4x32x768xf32, #tpu.memory_space<vmem>> -> memref<1x32x768xf32, #tpu.memory_space<vmem>>
      %dma_wait3A_287 = tpu.memref_squeeze %dma_wait3A_286 : memref<1x32x768xf32, #tpu.memory_space<vmem>> -> memref<32x768xf32, #tpu.memory_space<vmem>>
      %dma_wait3A_288 = arith.constant 0 : i32
      %dma_wait3A_289 = tpu.memref_slice %arg5[%add3A_274, %dma_wait3A_288] : memref<49x32xi32, #tpu.memory_space<vmem>> -> memref<1x32xi32, #tpu.memory_space<vmem>>
      %dma_wait3A_290 = tpu.memref_squeeze %dma_wait3A_289 : memref<1x32xi32, #tpu.memory_space<vmem>> -> memref<32xi32, #tpu.memory_space<vmem>>
      %dma_wait3A_291 = arith.constant 0 : i32
      %dma_wait3A_292 = arith.constant 0 : i32
      %dma_wait3A_293 = tpu.memref_slice %arg2[%dma_wait3A_291, %dma_wait3A_292] : memref<12544x768xf32, #tpu.memory_space<hbm>> -> memref<12544x768xf32, #tpu.memory_space<hbm>>
      %dma_wait3A_294 = tpu.memref_slice %arg7[%dma_wait3A_283] : memref<4x!tpu.dma_semaphore, #tpu.memory_space<semaphore_mem>> -> memref<1x!tpu.dma_semaphore, #tpu.memory_space<semaphore_mem>>
      %dma_wait3A_295 = tpu.memref_squeeze %dma_wait3A_294 : memref<1x!tpu.dma_semaphore, #tpu.memory_space<semaphore_mem>> -> memref<!tpu.dma_semaphore, #tpu.memory_space<semaphore_mem>>
      tpu.wait_indirect_dma semaphore(%dma_wait3A_295 : memref<!tpu.dma_semaphore, #tpu.memory_space<semaphore_mem>>) src(%dma_wait3A_293 : memref<12544x768xf32, #tpu.memory_space<hbm>>) dst(%dma_wait3A_287 : memref<32x768xf32, #tpu.memory_space<vmem>>)
      %mul3A_296 = arith.constant 32 : i32
      %mul3A_297 = arith.muli %add3A_274, %mul3A_296 : i32
      %add3A_298 = arith.addi %mul3A_2, %mul3A_297 : i32
      %dma_start3A_299 = arith.constant 3 : i32
      %dma_start3A_300 = arith.constant 3 : i32
      %dma_start3A_301 = arith.constant 0 : i32
      %dma_start3A_302 = arith.constant 0 : i32
      %dma_start3A_303 = tpu.memref_slice %arg6[%dma_start3A_299, %dma_start3A_301, %dma_start3A_302] : memref<4x32x768xf32, #tpu.memory_space<vmem>> -> memref<1x32x768xf32, #tpu.memory_space<vmem>>
      %dma_start3A_304 = tpu.memref_squeeze %dma_start3A_303 : memref<1x32x768xf32, #tpu.memory_space<vmem>> -> memref<32x768xf32, #tpu.memory_space<vmem>>
      %dma_start3A_305 = arith.constant 0 : i32
      %dma_start3A_306 = tpu.memref_slice %arg4[%add3A_298, %dma_start3A_305] : memref<50176x768xf32, #tpu.memory_space<hbm>> -> memref<32x768xf32, #tpu.memory_space<hbm>>
      %dma_start3A_307 = tpu.memref_slice %arg8[%dma_start3A_300] : memref<4x!tpu.dma_semaphore, #tpu.memory_space<semaphore_mem>> -> memref<1x!tpu.dma_semaphore, #tpu.memory_space<semaphore_mem>>
      %dma_start3A_308 = tpu.memref_squeeze %dma_start3A_307 : memref<1x!tpu.dma_semaphore, #tpu.memory_space<semaphore_mem>> -> memref<!tpu.dma_semaphore, #tpu.memory_space<semaphore_mem>>
      %dma_start3A_309 = arith.constant 0 : i32
      %dma_start3A_310 = tpu.memref_slice %arg4[%add3A_298, %dma_start3A_309] : memref<50176x768xf32, #tpu.memory_space<hbm>> -> memref<32x768xf32, #tpu.memory_space<hbm>>
      %dma_start3A_311 = arith.constant 0 : i32
      %dma_start3A_312 = arith.constant 0 : i32
      %dma_start3A_313 = tpu.memref_slice %arg6[%dma_start3A_299, %dma_start3A_311, %dma_start3A_312] : memref<4x32x768xf32, #tpu.memory_space<vmem>> -> memref<1x32x768xf32, #tpu.memory_space<vmem>>
      %dma_start3A_314 = tpu.memref_squeeze %dma_start3A_313 : memref<1x32x768xf32, #tpu.memory_space<vmem>> -> memref<32x768xf32, #tpu.memory_space<vmem>>
      tpu.enqueue_dma source(%dma_start3A_314 : memref<32x768xf32, #tpu.memory_space<vmem>>) target(%dma_start3A_310 : memref<32x768xf32, #tpu.memory_space<hbm>>) target_semaphore(%dma_start3A_308 : memref<!tpu.dma_semaphore, #tpu.memory_space<semaphore_mem>>)
    }
    %scan3A_36 = arith.constant 12 : i32
    %dma_wait3A = arith.constant 48 : i32
    %dma_wait3A_37 = arith.constant 0 : i32
    %dma_wait3A_38 = arith.constant 0 : i32
    %dma_wait3A_39 = arith.constant 0 : i32
    %dma_wait3A_40 = arith.constant 0 : i32
    %dma_wait3A_41 = tpu.memref_slice %arg6[%dma_wait3A_37, %dma_wait3A_39, %dma_wait3A_40] : memref<4x32x768xf32, #tpu.memory_space<vmem>> -> memref<1x32x768xf32, #tpu.memory_space<vmem>>
    %dma_wait3A_42 = tpu.memref_squeeze %dma_wait3A_41 : memref<1x32x768xf32, #tpu.memory_space<vmem>> -> memref<32x768xf32, #tpu.memory_space<vmem>>
    %dma_wait3A_43 = arith.constant 0 : i32
    %dma_wait3A_44 = tpu.memref_slice %arg5[%dma_wait3A, %dma_wait3A_43] : memref<49x32xi32, #tpu.memory_space<vmem>> -> memref<1x32xi32, #tpu.memory_space<vmem>>
    %dma_wait3A_45 = tpu.memref_squeeze %dma_wait3A_44 : memref<1x32xi32, #tpu.memory_space<vmem>> -> memref<32xi32, #tpu.memory_space<vmem>>
    %dma_wait3A_46 = arith.constant 0 : i32
    %dma_wait3A_47 = arith.constant 0 : i32
    %dma_wait3A_48 = tpu.memref_slice %arg2[%dma_wait3A_46, %dma_wait3A_47] : memref<12544x768xf32, #tpu.memory_space<hbm>> -> memref<12544x768xf32, #tpu.memory_space<hbm>>
    %dma_wait3A_49 = tpu.memref_slice %arg7[%dma_wait3A_38] : memref<4x!tpu.dma_semaphore, #tpu.memory_space<semaphore_mem>> -> memref<1x!tpu.dma_semaphore, #tpu.memory_space<semaphore_mem>>
    %dma_wait3A_50 = tpu.memref_squeeze %dma_wait3A_49 : memref<1x!tpu.dma_semaphore, #tpu.memory_space<semaphore_mem>> -> memref<!tpu.dma_semaphore, #tpu.memory_space<semaphore_mem>>
    tpu.wait_indirect_dma semaphore(%dma_wait3A_50 : memref<!tpu.dma_semaphore, #tpu.memory_space<semaphore_mem>>) src(%dma_wait3A_48 : memref<12544x768xf32, #tpu.memory_space<hbm>>) dst(%dma_wait3A_42 : memref<32x768xf32, #tpu.memory_space<vmem>>)
    %add3A_51 = arith.constant 1536 : i32
    %add3A_52 = arith.addi %mul3A_2, %add3A_51 : i32
    %dma_start3A_53 = arith.constant 0 : i32
    %dma_start3A_54 = arith.constant 0 : i32
    %dma_start3A_55 = arith.constant 0 : i32
    %dma_start3A_56 = arith.constant 0 : i32
    %dma_start3A_57 = tpu.memref_slice %arg6[%dma_start3A_53, %dma_start3A_55, %dma_start3A_56] : memref<4x32x768xf32, #tpu.memory_space<vmem>> -> memref<1x32x768xf32, #tpu.memory_space<vmem>>
    %dma_start3A_58 = tpu.memref_squeeze %dma_start3A_57 : memref<1x32x768xf32, #tpu.memory_space<vmem>> -> memref<32x768xf32, #tpu.memory_space<vmem>>
    %dma_start3A_59 = arith.constant 0 : i32
    %dma_start3A_60 = tpu.memref_slice %arg4[%add3A_52, %dma_start3A_59] : memref<50176x768xf32, #tpu.memory_space<hbm>> -> memref<32x768xf32, #tpu.memory_space<hbm>>
    %dma_start3A_61 = tpu.memref_slice %arg8[%dma_start3A_54] : memref<4x!tpu.dma_semaphore, #tpu.memory_space<semaphore_mem>> -> memref<1x!tpu.dma_semaphore, #tpu.memory_space<semaphore_mem>>
    %dma_start3A_62 = tpu.memref_squeeze %dma_start3A_61 : memref<1x!tpu.dma_semaphore, #tpu.memory_space<semaphore_mem>> -> memref<!tpu.dma_semaphore, #tpu.memory_space<semaphore_mem>>
    %dma_start3A_63 = arith.constant 0 : i32
    %dma_start3A_64 = tpu.memref_slice %arg4[%add3A_52, %dma_start3A_63] : memref<50176x768xf32, #tpu.memory_space<hbm>> -> memref<32x768xf32, #tpu.memory_space<hbm>>
    %dma_start3A_65 = arith.constant 0 : i32
    %dma_start3A_66 = arith.constant 0 : i32
    %dma_start3A_67 = tpu.memref_slice %arg6[%dma_start3A_53, %dma_start3A_65, %dma_start3A_66] : memref<4x32x768xf32, #tpu.memory_space<vmem>> -> memref<1x32x768xf32, #tpu.memory_space<vmem>>
    %dma_start3A_68 = tpu.memref_squeeze %dma_start3A_67 : memref<1x32x768xf32, #tpu.memory_space<vmem>> -> memref<32x768xf32, #tpu.memory_space<vmem>>
    tpu.enqueue_dma source(%dma_start3A_68 : memref<32x768xf32, #tpu.memory_space<vmem>>) target(%dma_start3A_64 : memref<32x768xf32, #tpu.memory_space<hbm>>) target_semaphore(%dma_start3A_62 : memref<!tpu.dma_semaphore, #tpu.memory_space<semaphore_mem>>)
    %add3A_69 = arith.constant 1440 : i32
    %add3A_70 = arith.addi %mul3A_2, %add3A_69 : i32
    %dma_wait3A_71 = arith.constant 1 : i32
    %dma_wait3A_72 = arith.constant 1 : i32
    %dma_wait3A_73 = arith.constant 0 : i32
    %dma_wait3A_74 = arith.constant 0 : i32
    %dma_wait3A_75 = tpu.memref_slice %arg6[%dma_wait3A_71, %dma_wait3A_73, %dma_wait3A_74] : memref<4x32x768xf32, #tpu.memory_space<vmem>> -> memref<1x32x768xf32, #tpu.memory_space<vmem>>
    %dma_wait3A_76 = tpu.memref_squeeze %dma_wait3A_75 : memref<1x32x768xf32, #tpu.memory_space<vmem>> -> memref<32x768xf32, #tpu.memory_space<vmem>>
    %dma_wait3A_77 = arith.constant 0 : i32
    %dma_wait3A_78 = tpu.memref_slice %arg4[%add3A_70, %dma_wait3A_77] : memref<50176x768xf32, #tpu.memory_space<hbm>> -> memref<32x768xf32, #tpu.memory_space<hbm>>
    %dma_wait3A_79 = tpu.memref_slice %arg8[%dma_wait3A_72] : memref<4x!tpu.dma_semaphore, #tpu.memory_space<semaphore_mem>> -> memref<1x!tpu.dma_semaphore, #tpu.memory_space<semaphore_mem>>
    %dma_wait3A_80 = tpu.memref_squeeze %dma_wait3A_79 : memref<1x!tpu.dma_semaphore, #tpu.memory_space<semaphore_mem>> -> memref<!tpu.dma_semaphore, #tpu.memory_space<semaphore_mem>>
    %dma_wait3A_81 = arith.constant 0 : i32
    %dma_wait3A_82 = tpu.memref_slice %arg4[%add3A_70, %dma_wait3A_81] : memref<50176x768xf32, #tpu.memory_space<hbm>> -> memref<32x768xf32, #tpu.memory_space<hbm>>
    %dma_wait3A_83 = arith.constant 0 : i32
    %dma_wait3A_84 = arith.constant 0 : i32
    %dma_wait3A_85 = tpu.memref_slice %arg6[%dma_wait3A_71, %dma_wait3A_83, %dma_wait3A_84] : memref<4x32x768xf32, #tpu.memory_space<vmem>> -> memref<1x32x768xf32, #tpu.memory_space<vmem>>
    %dma_wait3A_86 = tpu.memref_squeeze %dma_wait3A_85 : memref<1x32x768xf32, #tpu.memory_space<vmem>> -> memref<32x768xf32, #tpu.memory_space<vmem>>
    tpu.wait_dma2 semaphore(%dma_wait3A_80 : memref<!tpu.dma_semaphore, #tpu.memory_space<semaphore_mem>>) src(%dma_wait3A_86 : memref<32x768xf32, #tpu.memory_space<vmem>>) dst(%dma_wait3A_82 : memref<32x768xf32, #tpu.memory_space<hbm>>)
    %add3A_87 = arith.constant 1472 : i32
    %add3A_88 = arith.addi %mul3A_2, %add3A_87 : i32
    %dma_wait3A_89 = arith.constant 2 : i32
    %dma_wait3A_90 = arith.constant 2 : i32
    %dma_wait3A_91 = arith.constant 0 : i32
    %dma_wait3A_92 = arith.constant 0 : i32
    %dma_wait3A_93 = tpu.memref_slice %arg6[%dma_wait3A_89, %dma_wait3A_91, %dma_wait3A_92] : memref<4x32x768xf32, #tpu.memory_space<vmem>> -> memref<1x32x768xf32, #tpu.memory_space<vmem>>
    %dma_wait3A_94 = tpu.memref_squeeze %dma_wait3A_93 : memref<1x32x768xf32, #tpu.memory_space<vmem>> -> memref<32x768xf32, #tpu.memory_space<vmem>>
    %dma_wait3A_95 = arith.constant 0 : i32
    %dma_wait3A_96 = tpu.memref_slice %arg4[%add3A_88, %dma_wait3A_95] : memref<50176x768xf32, #tpu.memory_space<hbm>> -> memref<32x768xf32, #tpu.memory_space<hbm>>
    %dma_wait3A_97 = tpu.memref_slice %arg8[%dma_wait3A_90] : memref<4x!tpu.dma_semaphore, #tpu.memory_space<semaphore_mem>> -> memref<1x!tpu.dma_semaphore, #tpu.memory_space<semaphore_mem>>
    %dma_wait3A_98 = tpu.memref_squeeze %dma_wait3A_97 : memref<1x!tpu.dma_semaphore, #tpu.memory_space<semaphore_mem>> -> memref<!tpu.dma_semaphore, #tpu.memory_space<semaphore_mem>>
    %dma_wait3A_99 = arith.constant 0 : i32
    %dma_wait3A_100 = tpu.memref_slice %arg4[%add3A_88, %dma_wait3A_99] : memref<50176x768xf32, #tpu.memory_space<hbm>> -> memref<32x768xf32, #tpu.memory_space<hbm>>
    %dma_wait3A_101 = arith.constant 0 : i32
    %dma_wait3A_102 = arith.constant 0 : i32
    %dma_wait3A_103 = tpu.memref_slice %arg6[%dma_wait3A_89, %dma_wait3A_101, %dma_wait3A_102] : memref<4x32x768xf32, #tpu.memory_space<vmem>> -> memref<1x32x768xf32, #tpu.memory_space<vmem>>
    %dma_wait3A_104 = tpu.memref_squeeze %dma_wait3A_103 : memref<1x32x768xf32, #tpu.memory_space<vmem>> -> memref<32x768xf32, #tpu.memory_space<vmem>>
    tpu.wait_dma2 semaphore(%dma_wait3A_98 : memref<!tpu.dma_semaphore, #tpu.memory_space<semaphore_mem>>) src(%dma_wait3A_104 : memref<32x768xf32, #tpu.memory_space<vmem>>) dst(%dma_wait3A_100 : memref<32x768xf32, #tpu.memory_space<hbm>>)
    %add3A_105 = arith.constant 1504 : i32
    %add3A_106 = arith.addi %mul3A_2, %add3A_105 : i32
    %dma_wait3A_107 = arith.constant 3 : i32
    %dma_wait3A_108 = arith.constant 3 : i32
    %dma_wait3A_109 = arith.constant 0 : i32
    %dma_wait3A_110 = arith.constant 0 : i32
    %dma_wait3A_111 = tpu.memref_slice %arg6[%dma_wait3A_107, %dma_wait3A_109, %dma_wait3A_110] : memref<4x32x768xf32, #tpu.memory_space<vmem>> -> memref<1x32x768xf32, #tpu.memory_space<vmem>>
    %dma_wait3A_112 = tpu.memref_squeeze %dma_wait3A_111 : memref<1x32x768xf32, #tpu.memory_space<vmem>> -> memref<32x768xf32, #tpu.memory_space<vmem>>
    %dma_wait3A_113 = arith.constant 0 : i32
    %dma_wait3A_114 = tpu.memref_slice %arg4[%add3A_106, %dma_wait3A_113] : memref<50176x768xf32, #tpu.memory_space<hbm>> -> memref<32x768xf32, #tpu.memory_space<hbm>>
    %dma_wait3A_115 = tpu.memref_slice %arg8[%dma_wait3A_108] : memref<4x!tpu.dma_semaphore, #tpu.memory_space<semaphore_mem>> -> memref<1x!tpu.dma_semaphore, #tpu.memory_space<semaphore_mem>>
    %dma_wait3A_116 = tpu.memref_squeeze %dma_wait3A_115 : memref<1x!tpu.dma_semaphore, #tpu.memory_space<semaphore_mem>> -> memref<!tpu.dma_semaphore, #tpu.memory_space<semaphore_mem>>
    %dma_wait3A_117 = arith.constant 0 : i32
    %dma_wait3A_118 = tpu.memref_slice %arg4[%add3A_106, %dma_wait3A_117] : memref<50176x768xf32, #tpu.memory_space<hbm>> -> memref<32x768xf32, #tpu.memory_space<hbm>>
    %dma_wait3A_119 = arith.constant 0 : i32
    %dma_wait3A_120 = arith.constant 0 : i32
    %dma_wait3A_121 = tpu.memref_slice %arg6[%dma_wait3A_107, %dma_wait3A_119, %dma_wait3A_120] : memref<4x32x768xf32, #tpu.memory_space<vmem>> -> memref<1x32x768xf32, #tpu.memory_space<vmem>>
    %dma_wait3A_122 = tpu.memref_squeeze %dma_wait3A_121 : memref<1x32x768xf32, #tpu.memory_space<vmem>> -> memref<32x768xf32, #tpu.memory_space<vmem>>
    tpu.wait_dma2 semaphore(%dma_wait3A_116 : memref<!tpu.dma_semaphore, #tpu.memory_space<semaphore_mem>>) src(%dma_wait3A_122 : memref<32x768xf32, #tpu.memory_space<vmem>>) dst(%dma_wait3A_118 : memref<32x768xf32, #tpu.memory_space<hbm>>)
    %add3A_123 = arith.constant 1536 : i32
    %add3A_124 = arith.addi %mul3A_2, %add3A_123 : i32
    %dma_wait3A_125 = arith.constant 0 : i32
    %dma_wait3A_126 = arith.constant 0 : i32
    %dma_wait3A_127 = arith.constant 0 : i32
    %dma_wait3A_128 = arith.constant 0 : i32
    %dma_wait3A_129 = tpu.memref_slice %arg6[%dma_wait3A_125, %dma_wait3A_127, %dma_wait3A_128] : memref<4x32x768xf32, #tpu.memory_space<vmem>> -> memref<1x32x768xf32, #tpu.memory_space<vmem>>
    %dma_wait3A_130 = tpu.memref_squeeze %dma_wait3A_129 : memref<1x32x768xf32, #tpu.memory_space<vmem>> -> memref<32x768xf32, #tpu.memory_space<vmem>>
    %dma_wait3A_131 = arith.constant 0 : i32
    %dma_wait3A_132 = tpu.memref_slice %arg4[%add3A_124, %dma_wait3A_131] : memref<50176x768xf32, #tpu.memory_space<hbm>> -> memref<32x768xf32, #tpu.memory_space<hbm>>
    %dma_wait3A_133 = tpu.memref_slice %arg8[%dma_wait3A_126] : memref<4x!tpu.dma_semaphore, #tpu.memory_space<semaphore_mem>> -> memref<1x!tpu.dma_semaphore, #tpu.memory_space<semaphore_mem>>
    %dma_wait3A_134 = tpu.memref_squeeze %dma_wait3A_133 : memref<1x!tpu.dma_semaphore, #tpu.memory_space<semaphore_mem>> -> memref<!tpu.dma_semaphore, #tpu.memory_space<semaphore_mem>>
    %dma_wait3A_135 = arith.constant 0 : i32
    %dma_wait3A_136 = tpu.memref_slice %arg4[%add3A_124, %dma_wait3A_135] : memref<50176x768xf32, #tpu.memory_space<hbm>> -> memref<32x768xf32, #tpu.memory_space<hbm>>
    %dma_wait3A_137 = arith.constant 0 : i32
    %dma_wait3A_138 = arith.constant 0 : i32
    %dma_wait3A_139 = tpu.memref_slice %arg6[%dma_wait3A_125, %dma_wait3A_137, %dma_wait3A_138] : memref<4x32x768xf32, #tpu.memory_space<vmem>> -> memref<1x32x768xf32, #tpu.memory_space<vmem>>
    %dma_wait3A_140 = tpu.memref_squeeze %dma_wait3A_139 : memref<1x32x768xf32, #tpu.memory_space<vmem>> -> memref<32x768xf32, #tpu.memory_space<vmem>>
    tpu.wait_dma2 semaphore(%dma_wait3A_134 : memref<!tpu.dma_semaphore, #tpu.memory_space<semaphore_mem>>) src(%dma_wait3A_140 : memref<32x768xf32, #tpu.memory_space<vmem>>) dst(%dma_wait3A_136 : memref<32x768xf32, #tpu.memory_space<hbm>>)
    return
  }
}

module attributes {stable_mosaic.version = 14 : i64} {
  func.func @_tc_body(%arg0: i32, %arg1: memref<4x196x768xf32, #tpu.memory_space<vmem>>, %arg2: memref<196x8xi32, #tpu.memory_space<vmem>>, %arg3: memref<4x196x4xi32, #tpu.memory_space<vmem>>, %arg4: memref<4x196x4xi32, #tpu.memory_space<vmem>>) attributes {dimension_semantics = [#tpu.dimension_semantics<parallel>], iteration_bounds = array<i64: 16>, scalar_prefetch = 0 : i64, scratch_operands = 0 : i64, tpu.core_type = #tpu.core_type<tc>, window_params = [{transform_indices = @transform_0, window_bounds = array<i64: 4, 196, 768>}, {pipeline_mode = #tpu.pipeline_mode<synchronous>, transform_indices = @transform_1, window_bounds = array<i64: 196, 8>}, {transform_indices = @transform_2, window_bounds = array<i64: 4, 196, 4>}, {transform_indices = @transform_3, window_bounds = array<i64: 4, 196, 4>}]} {
    %get3A = arith.constant 0 : index
    %get3A_0 = arith.constant 0 : index
    %get3A_1 = vector.load %arg2[%get3A, %get3A_0] : memref<196x8xi32, #tpu.memory_space<vmem>>, vector<196x8xi32>
    %iota3A = tpu.iota {dimensions = array<i32: 1>} : vector<196x196xi32>
    %iota3A_2 = tpu.iota {dimensions = array<i32: 1>} : vector<196x8xi32>
    %mul3A = arith.constant 4 : i32
    %mul3A_3 = arith.muli %arg0, %mul3A : i32
    %add3A = arith.constant 0 : i32
    %add3A_4 = arith.addi %mul3A_3, %add3A : i32
    %get3A_5 = arith.constant 0 : index
    %get3A_6 = arith.constant 0 : index
    %get3A_7 = arith.constant 0 : index
    %get3A_8 = vector.load %arg1[%get3A_5, %get3A_6, %get3A_7] : memref<4x196x768xf32, #tpu.memory_space<vmem>>, vector<1x196x768xf32>
    %get3A_9 = vector.shape_cast %get3A_8 : vector<1x196x768xf32> to vector<196x768xf32>
    %mul3A_10 = arith.mulf %get3A_9, %get3A_9 : vector<196x768xf32>
    %reduce_sum3A = arith.constant dense<0.000000e+00> : vector<196xf32>
    %reduce_sum3A_11 = vector.multi_reduction <add>, %mul3A_10, %reduce_sum3A [1] : vector<196x768xf32> to vector<196xf32>
    %broadcast_in_dim3A = vector.shape_cast %reduce_sum3A_11 : vector<196xf32> to vector<196x1xf32>
    %sqrt3A = math.sqrt %broadcast_in_dim3A : vector<196x1xf32>
    %max3A = arith.constant 9.99999996E-13 : f32
    %max3A_12 = vector.broadcast %max3A : f32 to vector<196x1xf32>
    %max3A_13 = arith.maximumf %sqrt3A, %max3A_12 : vector<196x1xf32>
    %div3A = vector.broadcast %max3A_13 : vector<196x1xf32> to vector<196x768xf32>
    %div3A_14 = arith.divf %get3A_9, %div3A : vector<196x768xf32>
    %convert_element_type3A = arith.truncf %div3A_14 : vector<196x768xf32> to vector<196x768xbf16>
    %dot_general3A = arith.constant dense<0.000000e+00> : vector<196x196xf32>
    %dot_general3A_15 = tpu.matmul %convert_element_type3A, %convert_element_type3A, %dot_general3A {dimension_numbers = #tpu.dot_dimension_numbers<[1], [1], [0], [0], [0, 0, 1, 0], [], []>, transpose_lhs_hint = false} : vector<196x768xbf16>, vector<196x768xbf16>, vector<196x196xf32> -> vector<196x196xf32>
    %slice3A = vector.extract_strided_slice %get3A_1 {offsets = [0, 0], sizes = [196, 1], strides = [1, 1]} : vector<196x8xi32> to vector<196x1xi32>
    %eq3A = vector.broadcast %slice3A : vector<196x1xi32> to vector<196x196xi32>
    %eq3A_16 = arith.cmpi eq, %iota3A, %eq3A : vector<196x196xi32>
    %jit3A = arith.constant 0.000000e+00 : f32
    %broadcast_in_dim3A_17 = vector.broadcast %jit3A : f32 to vector<196x196xf32>
    %select_n3A = arith.select %eq3A_16, %dot_general3A_15, %broadcast_in_dim3A_17 : vector<196x196xi1>, vector<196x196xf32>
    %reduce_sum3A_18 = arith.constant dense<0.000000e+00> : vector<196xf32>
    %reduce_sum3A_19 = vector.multi_reduction <add>, %select_n3A, %reduce_sum3A_18 [1] : vector<196x196xf32> to vector<196xf32>
    %broadcast_in_dim3A_20 = vector.shape_cast %reduce_sum3A_19 : vector<196xf32> to vector<196x1xf32>
    %slice3A_21 = vector.extract_strided_slice %get3A_1 {offsets = [0, 1], sizes = [196, 1], strides = [1, 1]} : vector<196x8xi32> to vector<196x1xi32>
    %eq3A_22 = vector.broadcast %slice3A_21 : vector<196x1xi32> to vector<196x196xi32>
    %eq3A_23 = arith.cmpi eq, %iota3A, %eq3A_22 : vector<196x196xi32>
    %jit3A_24 = arith.constant 0.000000e+00 : f32
    %broadcast_in_dim3A_25 = vector.broadcast %jit3A_24 : f32 to vector<196x196xf32>
    %select_n3A_26 = arith.select %eq3A_23, %dot_general3A_15, %broadcast_in_dim3A_25 : vector<196x196xi1>, vector<196x196xf32>
    %reduce_sum3A_27 = arith.constant dense<0.000000e+00> : vector<196xf32>
    %reduce_sum3A_28 = vector.multi_reduction <add>, %select_n3A_26, %reduce_sum3A_27 [1] : vector<196x196xf32> to vector<196xf32>
    %broadcast_in_dim3A_29 = vector.shape_cast %reduce_sum3A_28 : vector<196xf32> to vector<196x1xf32>
    %slice3A_30 = vector.extract_strided_slice %get3A_1 {offsets = [0, 2], sizes = [196, 1], strides = [1, 1]} : vector<196x8xi32> to vector<196x1xi32>
    %eq3A_31 = vector.broadcast %slice3A_30 : vector<196x1xi32> to vector<196x196xi32>
    %eq3A_32 = arith.cmpi eq, %iota3A, %eq3A_31 : vector<196x196xi32>
    %jit3A_33 = arith.constant 0.000000e+00 : f32
    %broadcast_in_dim3A_34 = vector.broadcast %jit3A_33 : f32 to vector<196x196xf32>
    %select_n3A_35 = arith.select %eq3A_32, %dot_general3A_15, %broadcast_in_dim3A_34 : vector<196x196xi1>, vector<196x196xf32>
    %reduce_sum3A_36 = arith.constant dense<0.000000e+00> : vector<196xf32>
    %reduce_sum3A_37 = vector.multi_reduction <add>, %select_n3A_35, %reduce_sum3A_36 [1] : vector<196x196xf32> to vector<196xf32>
    %broadcast_in_dim3A_38 = vector.shape_cast %reduce_sum3A_37 : vector<196xf32> to vector<196x1xf32>
    %slice3A_39 = vector.extract_strided_slice %get3A_1 {offsets = [0, 3], sizes = [196, 1], strides = [1, 1]} : vector<196x8xi32> to vector<196x1xi32>
    %eq3A_40 = vector.broadcast %slice3A_39 : vector<196x1xi32> to vector<196x196xi32>
    %eq3A_41 = arith.cmpi eq, %iota3A, %eq3A_40 : vector<196x196xi32>
    %jit3A_42 = arith.constant 0.000000e+00 : f32
    %broadcast_in_dim3A_43 = vector.broadcast %jit3A_42 : f32 to vector<196x196xf32>
    %select_n3A_44 = arith.select %eq3A_41, %dot_general3A_15, %broadcast_in_dim3A_43 : vector<196x196xi1>, vector<196x196xf32>
    %reduce_sum3A_45 = arith.constant dense<0.000000e+00> : vector<196xf32>
    %reduce_sum3A_46 = vector.multi_reduction <add>, %select_n3A_44, %reduce_sum3A_45 [1] : vector<196x196xf32> to vector<196xf32>
    %broadcast_in_dim3A_47 = vector.shape_cast %reduce_sum3A_46 : vector<196xf32> to vector<196x1xf32>
    %slice3A_48 = vector.extract_strided_slice %get3A_1 {offsets = [0, 4], sizes = [196, 1], strides = [1, 1]} : vector<196x8xi32> to vector<196x1xi32>
    %eq3A_49 = vector.broadcast %slice3A_48 : vector<196x1xi32> to vector<196x196xi32>
    %eq3A_50 = arith.cmpi eq, %iota3A, %eq3A_49 : vector<196x196xi32>
    %jit3A_51 = arith.constant 0.000000e+00 : f32
    %broadcast_in_dim3A_52 = vector.broadcast %jit3A_51 : f32 to vector<196x196xf32>
    %select_n3A_53 = arith.select %eq3A_50, %dot_general3A_15, %broadcast_in_dim3A_52 : vector<196x196xi1>, vector<196x196xf32>
    %reduce_sum3A_54 = arith.constant dense<0.000000e+00> : vector<196xf32>
    %reduce_sum3A_55 = vector.multi_reduction <add>, %select_n3A_53, %reduce_sum3A_54 [1] : vector<196x196xf32> to vector<196xf32>
    %broadcast_in_dim3A_56 = vector.shape_cast %reduce_sum3A_55 : vector<196xf32> to vector<196x1xf32>
    %slice3A_57 = vector.extract_strided_slice %get3A_1 {offsets = [0, 5], sizes = [196, 1], strides = [1, 1]} : vector<196x8xi32> to vector<196x1xi32>
    %eq3A_58 = vector.broadcast %slice3A_57 : vector<196x1xi32> to vector<196x196xi32>
    %eq3A_59 = arith.cmpi eq, %iota3A, %eq3A_58 : vector<196x196xi32>
    %jit3A_60 = arith.constant 0.000000e+00 : f32
    %broadcast_in_dim3A_61 = vector.broadcast %jit3A_60 : f32 to vector<196x196xf32>
    %select_n3A_62 = arith.select %eq3A_59, %dot_general3A_15, %broadcast_in_dim3A_61 : vector<196x196xi1>, vector<196x196xf32>
    %reduce_sum3A_63 = arith.constant dense<0.000000e+00> : vector<196xf32>
    %reduce_sum3A_64 = vector.multi_reduction <add>, %select_n3A_62, %reduce_sum3A_63 [1] : vector<196x196xf32> to vector<196xf32>
    %broadcast_in_dim3A_65 = vector.shape_cast %reduce_sum3A_64 : vector<196xf32> to vector<196x1xf32>
    %slice3A_66 = vector.extract_strided_slice %get3A_1 {offsets = [0, 6], sizes = [196, 1], strides = [1, 1]} : vector<196x8xi32> to vector<196x1xi32>
    %eq3A_67 = vector.broadcast %slice3A_66 : vector<196x1xi32> to vector<196x196xi32>
    %eq3A_68 = arith.cmpi eq, %iota3A, %eq3A_67 : vector<196x196xi32>
    %jit3A_69 = arith.constant 0.000000e+00 : f32
    %broadcast_in_dim3A_70 = vector.broadcast %jit3A_69 : f32 to vector<196x196xf32>
    %select_n3A_71 = arith.select %eq3A_68, %dot_general3A_15, %broadcast_in_dim3A_70 : vector<196x196xi1>, vector<196x196xf32>
    %reduce_sum3A_72 = arith.constant dense<0.000000e+00> : vector<196xf32>
    %reduce_sum3A_73 = vector.multi_reduction <add>, %select_n3A_71, %reduce_sum3A_72 [1] : vector<196x196xf32> to vector<196xf32>
    %broadcast_in_dim3A_74 = vector.shape_cast %reduce_sum3A_73 : vector<196xf32> to vector<196x1xf32>
    %slice3A_75 = vector.extract_strided_slice %get3A_1 {offsets = [0, 7], sizes = [196, 1], strides = [1, 1]} : vector<196x8xi32> to vector<196x1xi32>
    %eq3A_76 = vector.broadcast %slice3A_75 : vector<196x1xi32> to vector<196x196xi32>
    %eq3A_77 = arith.cmpi eq, %iota3A, %eq3A_76 : vector<196x196xi32>
    %jit3A_78 = arith.constant 0.000000e+00 : f32
    %broadcast_in_dim3A_79 = vector.broadcast %jit3A_78 : f32 to vector<196x196xf32>
    %select_n3A_80 = arith.select %eq3A_77, %dot_general3A_15, %broadcast_in_dim3A_79 : vector<196x196xi1>, vector<196x196xf32>
    %reduce_sum3A_81 = arith.constant dense<0.000000e+00> : vector<196xf32>
    %reduce_sum3A_82 = vector.multi_reduction <add>, %select_n3A_80, %reduce_sum3A_81 [1] : vector<196x196xf32> to vector<196xf32>
    %broadcast_in_dim3A_83 = vector.shape_cast %reduce_sum3A_82 : vector<196xf32> to vector<196x1xf32>
    %concatenate3A = tpu.concatenate %broadcast_in_dim3A_20, %broadcast_in_dim3A_29, %broadcast_in_dim3A_38, %broadcast_in_dim3A_47, %broadcast_in_dim3A_56, %broadcast_in_dim3A_65, %broadcast_in_dim3A_74, %broadcast_in_dim3A_83 in 1 : vector<196x1xf32>, vector<196x1xf32>, vector<196x1xf32>, vector<196x1xf32>, vector<196x1xf32>, vector<196x1xf32>, vector<196x1xf32>, vector<196x1xf32> -> vector<196x8xf32>
    %reduce_max3A = arith.constant dense<0xFF800000> : vector<196xf32>
    %reduce_max3A_84 = vector.multi_reduction <maximumf>, %concatenate3A, %reduce_max3A [1] : vector<196x8xf32> to vector<196xf32>
    %broadcast_in_dim3A_85 = vector.shape_cast %reduce_max3A_84 : vector<196xf32> to vector<196x1xf32>
    %eq3A_86 = vector.broadcast %broadcast_in_dim3A_85 : vector<196x1xf32> to vector<196x8xf32>
    %eq3A_87 = arith.cmpf oeq, %concatenate3A, %eq3A_86 : vector<196x8xf32>
    %jit3A_88 = arith.constant 8 : i32
    %broadcast_in_dim3A_89 = vector.broadcast %jit3A_88 : i32 to vector<196x8xi32>
    %select_n3A_90 = arith.select %eq3A_87, %iota3A_2, %broadcast_in_dim3A_89 : vector<196x8xi1>, vector<196x8xi32>
    %reduce_min3A = arith.constant dense<2147483647> : vector<196xi32>
    %reduce_min3A_91 = vector.multi_reduction <minsi>, %select_n3A_90, %reduce_min3A [1] : vector<196x8xi32> to vector<196xi32>
    %broadcast_in_dim3A_92 = vector.shape_cast %reduce_min3A_91 : vector<196xi32> to vector<196x1xi32>
    %eq3A_93 = vector.broadcast %broadcast_in_dim3A_92 : vector<196x1xi32> to vector<196x8xi32>
    %eq3A_94 = arith.cmpi eq, %iota3A_2, %eq3A_93 : vector<196x8xi32>
    %jit3A_95 = arith.constant 0xFF800000 : f32
    %broadcast_in_dim3A_96 = vector.broadcast %jit3A_95 : f32 to vector<196x8xf32>
    %select_n3A_97 = arith.select %eq3A_94, %broadcast_in_dim3A_96, %concatenate3A : vector<196x8xi1>, vector<196x8xf32>
    %jit3A_98 = arith.constant 0 : i32
    %broadcast_in_dim3A_99 = vector.broadcast %jit3A_98 : i32 to vector<196x8xi32>
    %select_n3A_100 = arith.select %eq3A_94, %get3A_1, %broadcast_in_dim3A_99 : vector<196x8xi1>, vector<196x8xi32>
    %reduce_sum3A_101 = arith.constant dense<0> : vector<196xi32>
    %reduce_sum3A_102 = vector.multi_reduction <add>, %select_n3A_100, %reduce_sum3A_101 [1] : vector<196x8xi32> to vector<196xi32>
    %broadcast_in_dim3A_103 = vector.shape_cast %reduce_sum3A_102 : vector<196xi32> to vector<196x1xi32>
    %reduce_max3A_104 = arith.constant dense<0xFF800000> : vector<196xf32>
    %reduce_max3A_105 = vector.multi_reduction <maximumf>, %select_n3A_97, %reduce_max3A_104 [1] : vector<196x8xf32> to vector<196xf32>
    %broadcast_in_dim3A_106 = vector.shape_cast %reduce_max3A_105 : vector<196xf32> to vector<196x1xf32>
    %eq3A_107 = vector.broadcast %broadcast_in_dim3A_106 : vector<196x1xf32> to vector<196x8xf32>
    %eq3A_108 = arith.cmpf oeq, %select_n3A_97, %eq3A_107 : vector<196x8xf32>
    %jit3A_109 = arith.constant 8 : i32
    %broadcast_in_dim3A_110 = vector.broadcast %jit3A_109 : i32 to vector<196x8xi32>
    %select_n3A_111 = arith.select %eq3A_108, %iota3A_2, %broadcast_in_dim3A_110 : vector<196x8xi1>, vector<196x8xi32>
    %reduce_min3A_112 = arith.constant dense<2147483647> : vector<196xi32>
    %reduce_min3A_113 = vector.multi_reduction <minsi>, %select_n3A_111, %reduce_min3A_112 [1] : vector<196x8xi32> to vector<196xi32>
    %broadcast_in_dim3A_114 = vector.shape_cast %reduce_min3A_113 : vector<196xi32> to vector<196x1xi32>
    %eq3A_115 = vector.broadcast %broadcast_in_dim3A_114 : vector<196x1xi32> to vector<196x8xi32>
    %eq3A_116 = arith.cmpi eq, %iota3A_2, %eq3A_115 : vector<196x8xi32>
    %jit3A_117 = arith.constant 0xFF800000 : f32
    %broadcast_in_dim3A_118 = vector.broadcast %jit3A_117 : f32 to vector<196x8xf32>
    %select_n3A_119 = arith.select %eq3A_116, %broadcast_in_dim3A_118, %select_n3A_97 : vector<196x8xi1>, vector<196x8xf32>
    %jit3A_120 = arith.constant 0 : i32
    %broadcast_in_dim3A_121 = vector.broadcast %jit3A_120 : i32 to vector<196x8xi32>
    %select_n3A_122 = arith.select %eq3A_116, %get3A_1, %broadcast_in_dim3A_121 : vector<196x8xi1>, vector<196x8xi32>
    %reduce_sum3A_123 = arith.constant dense<0> : vector<196xi32>
    %reduce_sum3A_124 = vector.multi_reduction <add>, %select_n3A_122, %reduce_sum3A_123 [1] : vector<196x8xi32> to vector<196xi32>
    %broadcast_in_dim3A_125 = vector.shape_cast %reduce_sum3A_124 : vector<196xi32> to vector<196x1xi32>
    %reduce_max3A_126 = arith.constant dense<0xFF800000> : vector<196xf32>
    %reduce_max3A_127 = vector.multi_reduction <maximumf>, %select_n3A_119, %reduce_max3A_126 [1] : vector<196x8xf32> to vector<196xf32>
    %broadcast_in_dim3A_128 = vector.shape_cast %reduce_max3A_127 : vector<196xf32> to vector<196x1xf32>
    %eq3A_129 = vector.broadcast %broadcast_in_dim3A_128 : vector<196x1xf32> to vector<196x8xf32>
    %eq3A_130 = arith.cmpf oeq, %select_n3A_119, %eq3A_129 : vector<196x8xf32>
    %jit3A_131 = arith.constant 8 : i32
    %broadcast_in_dim3A_132 = vector.broadcast %jit3A_131 : i32 to vector<196x8xi32>
    %select_n3A_133 = arith.select %eq3A_130, %iota3A_2, %broadcast_in_dim3A_132 : vector<196x8xi1>, vector<196x8xi32>
    %reduce_min3A_134 = arith.constant dense<2147483647> : vector<196xi32>
    %reduce_min3A_135 = vector.multi_reduction <minsi>, %select_n3A_133, %reduce_min3A_134 [1] : vector<196x8xi32> to vector<196xi32>
    %broadcast_in_dim3A_136 = vector.shape_cast %reduce_min3A_135 : vector<196xi32> to vector<196x1xi32>
    %eq3A_137 = vector.broadcast %broadcast_in_dim3A_136 : vector<196x1xi32> to vector<196x8xi32>
    %eq3A_138 = arith.cmpi eq, %iota3A_2, %eq3A_137 : vector<196x8xi32>
    %jit3A_139 = arith.constant 0xFF800000 : f32
    %broadcast_in_dim3A_140 = vector.broadcast %jit3A_139 : f32 to vector<196x8xf32>
    %select_n3A_141 = arith.select %eq3A_138, %broadcast_in_dim3A_140, %select_n3A_119 : vector<196x8xi1>, vector<196x8xf32>
    %jit3A_142 = arith.constant 0 : i32
    %broadcast_in_dim3A_143 = vector.broadcast %jit3A_142 : i32 to vector<196x8xi32>
    %select_n3A_144 = arith.select %eq3A_138, %get3A_1, %broadcast_in_dim3A_143 : vector<196x8xi1>, vector<196x8xi32>
    %reduce_sum3A_145 = arith.constant dense<0> : vector<196xi32>
    %reduce_sum3A_146 = vector.multi_reduction <add>, %select_n3A_144, %reduce_sum3A_145 [1] : vector<196x8xi32> to vector<196xi32>
    %broadcast_in_dim3A_147 = vector.shape_cast %reduce_sum3A_146 : vector<196xi32> to vector<196x1xi32>
    %reduce_max3A_148 = arith.constant dense<0xFF800000> : vector<196xf32>
    %reduce_max3A_149 = vector.multi_reduction <maximumf>, %select_n3A_141, %reduce_max3A_148 [1] : vector<196x8xf32> to vector<196xf32>
    %broadcast_in_dim3A_150 = vector.shape_cast %reduce_max3A_149 : vector<196xf32> to vector<196x1xf32>
    %eq3A_151 = vector.broadcast %broadcast_in_dim3A_150 : vector<196x1xf32> to vector<196x8xf32>
    %eq3A_152 = arith.cmpf oeq, %select_n3A_141, %eq3A_151 : vector<196x8xf32>
    %jit3A_153 = arith.constant 8 : i32
    %broadcast_in_dim3A_154 = vector.broadcast %jit3A_153 : i32 to vector<196x8xi32>
    %select_n3A_155 = arith.select %eq3A_152, %iota3A_2, %broadcast_in_dim3A_154 : vector<196x8xi1>, vector<196x8xi32>
    %reduce_min3A_156 = arith.constant dense<2147483647> : vector<196xi32>
    %reduce_min3A_157 = vector.multi_reduction <minsi>, %select_n3A_155, %reduce_min3A_156 [1] : vector<196x8xi32> to vector<196xi32>
    %broadcast_in_dim3A_158 = vector.shape_cast %reduce_min3A_157 : vector<196xi32> to vector<196x1xi32>
    %eq3A_159 = vector.broadcast %broadcast_in_dim3A_158 : vector<196x1xi32> to vector<196x8xi32>
    %eq3A_160 = arith.cmpi eq, %iota3A_2, %eq3A_159 : vector<196x8xi32>
    %jit3A_161 = arith.constant 0 : i32
    %broadcast_in_dim3A_162 = vector.broadcast %jit3A_161 : i32 to vector<196x8xi32>
    %select_n3A_163 = arith.select %eq3A_160, %get3A_1, %broadcast_in_dim3A_162 : vector<196x8xi1>, vector<196x8xi32>
    %reduce_sum3A_164 = arith.constant dense<0> : vector<196xi32>
    %reduce_sum3A_165 = vector.multi_reduction <add>, %select_n3A_163, %reduce_sum3A_164 [1] : vector<196x8xi32> to vector<196xi32>
    %broadcast_in_dim3A_166 = vector.shape_cast %reduce_sum3A_165 : vector<196xi32> to vector<196x1xi32>
    %concatenate3A_167 = tpu.concatenate %broadcast_in_dim3A_92, %broadcast_in_dim3A_114, %broadcast_in_dim3A_136, %broadcast_in_dim3A_158 in 1 : vector<196x1xi32>, vector<196x1xi32>, vector<196x1xi32>, vector<196x1xi32> -> vector<196x4xi32>
    %swap3A = arith.constant 0 : index
    %swap3A_168 = arith.constant 0 : index
    %swap3A_169 = arith.constant 0 : index
    %swap3A_170 = vector.load %arg3[%swap3A, %swap3A_168, %swap3A_169] : memref<4x196x4xi32, #tpu.memory_space<vmem>>, vector<1x196x4xi32>
    %swap3A_171 = vector.shape_cast %swap3A_170 : vector<1x196x4xi32> to vector<196x4xi32>
    %swap3A_172 = vector.shape_cast %concatenate3A_167 : vector<196x4xi32> to vector<1x196x4xi32>
    tpu.vector_store %arg3[%swap3A, %swap3A_168, %swap3A_169], %swap3A_172 {strides = array<i32>} : memref<4x196x4xi32, #tpu.memory_space<vmem>>, vector<1x196x4xi32>,
    %concatenate3A_173 = tpu.concatenate %broadcast_in_dim3A_103, %broadcast_in_dim3A_125, %broadcast_in_dim3A_147, %broadcast_in_dim3A_166 in 1 : vector<196x1xi32>, vector<196x1xi32>, vector<196x1xi32>, vector<196x1xi32> -> vector<196x4xi32>
    %mul3A_174 = arith.constant 196 : i32
    %mul3A_175 = arith.muli %add3A_4, %mul3A_174 : i32
    %add3A_176 = vector.broadcast %mul3A_175 : i32 to vector<196x4xi32>
    %add3A_177 = arith.addi %concatenate3A_173, %add3A_176 : vector<196x4xi32>
    %swap3A_178 = arith.constant 0 : index
    %swap3A_179 = arith.constant 0 : index
    %swap3A_180 = arith.constant 0 : index
    %swap3A_181 = vector.load %arg4[%swap3A_178, %swap3A_179, %swap3A_180] : memref<4x196x4xi32, #tpu.memory_space<vmem>>, vector<1x196x4xi32>
    %swap3A_182 = vector.shape_cast %swap3A_181 : vector<1x196x4xi32> to vector<196x4xi32>
    %swap3A_183 = vector.shape_cast %add3A_177 : vector<196x4xi32> to vector<1x196x4xi32>
    tpu.vector_store %arg4[%swap3A_178, %swap3A_179, %swap3A_180], %swap3A_183 {strides = array<i32>} : memref<4x196x4xi32, #tpu.memory_space<vmem>>, vector<1x196x4xi32>,
    %mul3A_184 = arith.constant 4 : i32
    %mul3A_185 = arith.muli %arg0, %mul3A_184 : i32
    %add3A_186 = arith.constant 1 : i32
    %add3A_187 = arith.addi %mul3A_185, %add3A_186 : i32
    %get3A_188 = arith.constant 1 : index
    %get3A_189 = arith.constant 0 : index
    %get3A_190 = arith.constant 0 : index
    %get3A_191 = vector.load %arg1[%get3A_188, %get3A_189, %get3A_190] : memref<4x196x768xf32, #tpu.memory_space<vmem>>, vector<1x196x768xf32>
    %get3A_192 = vector.shape_cast %get3A_191 : vector<1x196x768xf32> to vector<196x768xf32>
    %mul3A_193 = arith.mulf %get3A_192, %get3A_192 : vector<196x768xf32>
    %reduce_sum3A_194 = arith.constant dense<0.000000e+00> : vector<196xf32>
    %reduce_sum3A_195 = vector.multi_reduction <add>, %mul3A_193, %reduce_sum3A_194 [1] : vector<196x768xf32> to vector<196xf32>
    %broadcast_in_dim3A_196 = vector.shape_cast %reduce_sum3A_195 : vector<196xf32> to vector<196x1xf32>
    %sqrt3A_197 = math.sqrt %broadcast_in_dim3A_196 : vector<196x1xf32>
    %max3A_198 = arith.constant 9.99999996E-13 : f32
    %max3A_199 = vector.broadcast %max3A_198 : f32 to vector<196x1xf32>
    %max3A_200 = arith.maximumf %sqrt3A_197, %max3A_199 : vector<196x1xf32>
    %div3A_201 = vector.broadcast %max3A_200 : vector<196x1xf32> to vector<196x768xf32>
    %div3A_202 = arith.divf %get3A_192, %div3A_201 : vector<196x768xf32>
    %convert_element_type3A_203 = arith.truncf %div3A_202 : vector<196x768xf32> to vector<196x768xbf16>
    %dot_general3A_204 = arith.constant dense<0.000000e+00> : vector<196x196xf32>
    %dot_general3A_205 = tpu.matmul %convert_element_type3A_203, %convert_element_type3A_203, %dot_general3A_204 {dimension_numbers = #tpu.dot_dimension_numbers<[1], [1], [0], [0], [0, 0, 1, 0], [], []>, transpose_lhs_hint = false} : vector<196x768xbf16>, vector<196x768xbf16>, vector<196x196xf32> -> vector<196x196xf32>
    %slice3A_206 = vector.extract_strided_slice %get3A_1 {offsets = [0, 0], sizes = [196, 1], strides = [1, 1]} : vector<196x8xi32> to vector<196x1xi32>
    %eq3A_207 = vector.broadcast %slice3A_206 : vector<196x1xi32> to vector<196x196xi32>
    %eq3A_208 = arith.cmpi eq, %iota3A, %eq3A_207 : vector<196x196xi32>
    %jit3A_209 = arith.constant 0.000000e+00 : f32
    %broadcast_in_dim3A_210 = vector.broadcast %jit3A_209 : f32 to vector<196x196xf32>
    %select_n3A_211 = arith.select %eq3A_208, %dot_general3A_205, %broadcast_in_dim3A_210 : vector<196x196xi1>, vector<196x196xf32>
    %reduce_sum3A_212 = arith.constant dense<0.000000e+00> : vector<196xf32>
    %reduce_sum3A_213 = vector.multi_reduction <add>, %select_n3A_211, %reduce_sum3A_212 [1] : vector<196x196xf32> to vector<196xf32>
    %broadcast_in_dim3A_214 = vector.shape_cast %reduce_sum3A_213 : vector<196xf32> to vector<196x1xf32>
    %slice3A_215 = vector.extract_strided_slice %get3A_1 {offsets = [0, 1], sizes = [196, 1], strides = [1, 1]} : vector<196x8xi32> to vector<196x1xi32>
    %eq3A_216 = vector.broadcast %slice3A_215 : vector<196x1xi32> to vector<196x196xi32>
    %eq3A_217 = arith.cmpi eq, %iota3A, %eq3A_216 : vector<196x196xi32>
    %jit3A_218 = arith.constant 0.000000e+00 : f32
    %broadcast_in_dim3A_219 = vector.broadcast %jit3A_218 : f32 to vector<196x196xf32>
    %select_n3A_220 = arith.select %eq3A_217, %dot_general3A_205, %broadcast_in_dim3A_219 : vector<196x196xi1>, vector<196x196xf32>
    %reduce_sum3A_221 = arith.constant dense<0.000000e+00> : vector<196xf32>
    %reduce_sum3A_222 = vector.multi_reduction <add>, %select_n3A_220, %reduce_sum3A_221 [1] : vector<196x196xf32> to vector<196xf32>
    %broadcast_in_dim3A_223 = vector.shape_cast %reduce_sum3A_222 : vector<196xf32> to vector<196x1xf32>
    %slice3A_224 = vector.extract_strided_slice %get3A_1 {offsets = [0, 2], sizes = [196, 1], strides = [1, 1]} : vector<196x8xi32> to vector<196x1xi32>
    %eq3A_225 = vector.broadcast %slice3A_224 : vector<196x1xi32> to vector<196x196xi32>
    %eq3A_226 = arith.cmpi eq, %iota3A, %eq3A_225 : vector<196x196xi32>
    %jit3A_227 = arith.constant 0.000000e+00 : f32
    %broadcast_in_dim3A_228 = vector.broadcast %jit3A_227 : f32 to vector<196x196xf32>
    %select_n3A_229 = arith.select %eq3A_226, %dot_general3A_205, %broadcast_in_dim3A_228 : vector<196x196xi1>, vector<196x196xf32>
    %reduce_sum3A_230 = arith.constant dense<0.000000e+00> : vector<196xf32>
    %reduce_sum3A_231 = vector.multi_reduction <add>, %select_n3A_229, %reduce_sum3A_230 [1] : vector<196x196xf32> to vector<196xf32>
    %broadcast_in_dim3A_232 = vector.shape_cast %reduce_sum3A_231 : vector<196xf32> to vector<196x1xf32>
    %slice3A_233 = vector.extract_strided_slice %get3A_1 {offsets = [0, 3], sizes = [196, 1], strides = [1, 1]} : vector<196x8xi32> to vector<196x1xi32>
    %eq3A_234 = vector.broadcast %slice3A_233 : vector<196x1xi32> to vector<196x196xi32>
    %eq3A_235 = arith.cmpi eq, %iota3A, %eq3A_234 : vector<196x196xi32>
    %jit3A_236 = arith.constant 0.000000e+00 : f32
    %broadcast_in_dim3A_237 = vector.broadcast %jit3A_236 : f32 to vector<196x196xf32>
    %select_n3A_238 = arith.select %eq3A_235, %dot_general3A_205, %broadcast_in_dim3A_237 : vector<196x196xi1>, vector<196x196xf32>
    %reduce_sum3A_239 = arith.constant dense<0.000000e+00> : vector<196xf32>
    %reduce_sum3A_240 = vector.multi_reduction <add>, %select_n3A_238, %reduce_sum3A_239 [1] : vector<196x196xf32> to vector<196xf32>
    %broadcast_in_dim3A_241 = vector.shape_cast %reduce_sum3A_240 : vector<196xf32> to vector<196x1xf32>
    %slice3A_242 = vector.extract_strided_slice %get3A_1 {offsets = [0, 4], sizes = [196, 1], strides = [1, 1]} : vector<196x8xi32> to vector<196x1xi32>
    %eq3A_243 = vector.broadcast %slice3A_242 : vector<196x1xi32> to vector<196x196xi32>
    %eq3A_244 = arith.cmpi eq, %iota3A, %eq3A_243 : vector<196x196xi32>
    %jit3A_245 = arith.constant 0.000000e+00 : f32
    %broadcast_in_dim3A_246 = vector.broadcast %jit3A_245 : f32 to vector<196x196xf32>
    %select_n3A_247 = arith.select %eq3A_244, %dot_general3A_205, %broadcast_in_dim3A_246 : vector<196x196xi1>, vector<196x196xf32>
    %reduce_sum3A_248 = arith.constant dense<0.000000e+00> : vector<196xf32>
    %reduce_sum3A_249 = vector.multi_reduction <add>, %select_n3A_247, %reduce_sum3A_248 [1] : vector<196x196xf32> to vector<196xf32>
    %broadcast_in_dim3A_250 = vector.shape_cast %reduce_sum3A_249 : vector<196xf32> to vector<196x1xf32>
    %slice3A_251 = vector.extract_strided_slice %get3A_1 {offsets = [0, 5], sizes = [196, 1], strides = [1, 1]} : vector<196x8xi32> to vector<196x1xi32>
    %eq3A_252 = vector.broadcast %slice3A_251 : vector<196x1xi32> to vector<196x196xi32>
    %eq3A_253 = arith.cmpi eq, %iota3A, %eq3A_252 : vector<196x196xi32>
    %jit3A_254 = arith.constant 0.000000e+00 : f32
    %broadcast_in_dim3A_255 = vector.broadcast %jit3A_254 : f32 to vector<196x196xf32>
    %select_n3A_256 = arith.select %eq3A_253, %dot_general3A_205, %broadcast_in_dim3A_255 : vector<196x196xi1>, vector<196x196xf32>
    %reduce_sum3A_257 = arith.constant dense<0.000000e+00> : vector<196xf32>
    %reduce_sum3A_258 = vector.multi_reduction <add>, %select_n3A_256, %reduce_sum3A_257 [1] : vector<196x196xf32> to vector<196xf32>
    %broadcast_in_dim3A_259 = vector.shape_cast %reduce_sum3A_258 : vector<196xf32> to vector<196x1xf32>
    %slice3A_260 = vector.extract_strided_slice %get3A_1 {offsets = [0, 6], sizes = [196, 1], strides = [1, 1]} : vector<196x8xi32> to vector<196x1xi32>
    %eq3A_261 = vector.broadcast %slice3A_260 : vector<196x1xi32> to vector<196x196xi32>
    %eq3A_262 = arith.cmpi eq, %iota3A, %eq3A_261 : vector<196x196xi32>
    %jit3A_263 = arith.constant 0.000000e+00 : f32
    %broadcast_in_dim3A_264 = vector.broadcast %jit3A_263 : f32 to vector<196x196xf32>
    %select_n3A_265 = arith.select %eq3A_262, %dot_general3A_205, %broadcast_in_dim3A_264 : vector<196x196xi1>, vector<196x196xf32>
    %reduce_sum3A_266 = arith.constant dense<0.000000e+00> : vector<196xf32>
    %reduce_sum3A_267 = vector.multi_reduction <add>, %select_n3A_265, %reduce_sum3A_266 [1] : vector<196x196xf32> to vector<196xf32>
    %broadcast_in_dim3A_268 = vector.shape_cast %reduce_sum3A_267 : vector<196xf32> to vector<196x1xf32>
    %slice3A_269 = vector.extract_strided_slice %get3A_1 {offsets = [0, 7], sizes = [196, 1], strides = [1, 1]} : vector<196x8xi32> to vector<196x1xi32>
    %eq3A_270 = vector.broadcast %slice3A_269 : vector<196x1xi32> to vector<196x196xi32>
    %eq3A_271 = arith.cmpi eq, %iota3A, %eq3A_270 : vector<196x196xi32>
    %jit3A_272 = arith.constant 0.000000e+00 : f32
    %broadcast_in_dim3A_273 = vector.broadcast %jit3A_272 : f32 to vector<196x196xf32>
    %select_n3A_274 = arith.select %eq3A_271, %dot_general3A_205, %broadcast_in_dim3A_273 : vector<196x196xi1>, vector<196x196xf32>
    %reduce_sum3A_275 = arith.constant dense<0.000000e+00> : vector<196xf32>
    %reduce_sum3A_276 = vector.multi_reduction <add>, %select_n3A_274, %reduce_sum3A_275 [1] : vector<196x196xf32> to vector<196xf32>
    %broadcast_in_dim3A_277 = vector.shape_cast %reduce_sum3A_276 : vector<196xf32> to vector<196x1xf32>
    %concatenate3A_278 = tpu.concatenate %broadcast_in_dim3A_214, %broadcast_in_dim3A_223, %broadcast_in_dim3A_232, %broadcast_in_dim3A_241, %broadcast_in_dim3A_250, %broadcast_in_dim3A_259, %broadcast_in_dim3A_268, %broadcast_in_dim3A_277 in 1 : vector<196x1xf32>, vector<196x1xf32>, vector<196x1xf32>, vector<196x1xf32>, vector<196x1xf32>, vector<196x1xf32>, vector<196x1xf32>, vector<196x1xf32> -> vector<196x8xf32>
    %reduce_max3A_279 = arith.constant dense<0xFF800000> : vector<196xf32>
    %reduce_max3A_280 = vector.multi_reduction <maximumf>, %concatenate3A_278, %reduce_max3A_279 [1] : vector<196x8xf32> to vector<196xf32>
    %broadcast_in_dim3A_281 = vector.shape_cast %reduce_max3A_280 : vector<196xf32> to vector<196x1xf32>
    %eq3A_282 = vector.broadcast %broadcast_in_dim3A_281 : vector<196x1xf32> to vector<196x8xf32>
    %eq3A_283 = arith.cmpf oeq, %concatenate3A_278, %eq3A_282 : vector<196x8xf32>
    %jit3A_284 = arith.constant 8 : i32
    %broadcast_in_dim3A_285 = vector.broadcast %jit3A_284 : i32 to vector<196x8xi32>
    %select_n3A_286 = arith.select %eq3A_283, %iota3A_2, %broadcast_in_dim3A_285 : vector<196x8xi1>, vector<196x8xi32>
    %reduce_min3A_287 = arith.constant dense<2147483647> : vector<196xi32>
    %reduce_min3A_288 = vector.multi_reduction <minsi>, %select_n3A_286, %reduce_min3A_287 [1] : vector<196x8xi32> to vector<196xi32>
    %broadcast_in_dim3A_289 = vector.shape_cast %reduce_min3A_288 : vector<196xi32> to vector<196x1xi32>
    %eq3A_290 = vector.broadcast %broadcast_in_dim3A_289 : vector<196x1xi32> to vector<196x8xi32>
    %eq3A_291 = arith.cmpi eq, %iota3A_2, %eq3A_290 : vector<196x8xi32>
    %jit3A_292 = arith.constant 0xFF800000 : f32
    %broadcast_in_dim3A_293 = vector.broadcast %jit3A_292 : f32 to vector<196x8xf32>
    %select_n3A_294 = arith.select %eq3A_291, %broadcast_in_dim3A_293, %concatenate3A_278 : vector<196x8xi1>, vector<196x8xf32>
    %jit3A_295 = arith.constant 0 : i32
    %broadcast_in_dim3A_296 = vector.broadcast %jit3A_295 : i32 to vector<196x8xi32>
    %select_n3A_297 = arith.select %eq3A_291, %get3A_1, %broadcast_in_dim3A_296 : vector<196x8xi1>, vector<196x8xi32>
    %reduce_sum3A_298 = arith.constant dense<0> : vector<196xi32>
    %reduce_sum3A_299 = vector.multi_reduction <add>, %select_n3A_297, %reduce_sum3A_298 [1] : vector<196x8xi32> to vector<196xi32>
    %broadcast_in_dim3A_300 = vector.shape_cast %reduce_sum3A_299 : vector<196xi32> to vector<196x1xi32>
    %reduce_max3A_301 = arith.constant dense<0xFF800000> : vector<196xf32>
    %reduce_max3A_302 = vector.multi_reduction <maximumf>, %select_n3A_294, %reduce_max3A_301 [1] : vector<196x8xf32> to vector<196xf32>
    %broadcast_in_dim3A_303 = vector.shape_cast %reduce_max3A_302 : vector<196xf32> to vector<196x1xf32>
    %eq3A_304 = vector.broadcast %broadcast_in_dim3A_303 : vector<196x1xf32> to vector<196x8xf32>
    %eq3A_305 = arith.cmpf oeq, %select_n3A_294, %eq3A_304 : vector<196x8xf32>
    %jit3A_306 = arith.constant 8 : i32
    %broadcast_in_dim3A_307 = vector.broadcast %jit3A_306 : i32 to vector<196x8xi32>
    %select_n3A_308 = arith.select %eq3A_305, %iota3A_2, %broadcast_in_dim3A_307 : vector<196x8xi1>, vector<196x8xi32>
    %reduce_min3A_309 = arith.constant dense<2147483647> : vector<196xi32>
    %reduce_min3A_310 = vector.multi_reduction <minsi>, %select_n3A_308, %reduce_min3A_309 [1] : vector<196x8xi32> to vector<196xi32>
    %broadcast_in_dim3A_311 = vector.shape_cast %reduce_min3A_310 : vector<196xi32> to vector<196x1xi32>
    %eq3A_312 = vector.broadcast %broadcast_in_dim3A_311 : vector<196x1xi32> to vector<196x8xi32>
    %eq3A_313 = arith.cmpi eq, %iota3A_2, %eq3A_312 : vector<196x8xi32>
    %jit3A_314 = arith.constant 0xFF800000 : f32
    %broadcast_in_dim3A_315 = vector.broadcast %jit3A_314 : f32 to vector<196x8xf32>
    %select_n3A_316 = arith.select %eq3A_313, %broadcast_in_dim3A_315, %select_n3A_294 : vector<196x8xi1>, vector<196x8xf32>
    %jit3A_317 = arith.constant 0 : i32
    %broadcast_in_dim3A_318 = vector.broadcast %jit3A_317 : i32 to vector<196x8xi32>
    %select_n3A_319 = arith.select %eq3A_313, %get3A_1, %broadcast_in_dim3A_318 : vector<196x8xi1>, vector<196x8xi32>
    %reduce_sum3A_320 = arith.constant dense<0> : vector<196xi32>
    %reduce_sum3A_321 = vector.multi_reduction <add>, %select_n3A_319, %reduce_sum3A_320 [1] : vector<196x8xi32> to vector<196xi32>
    %broadcast_in_dim3A_322 = vector.shape_cast %reduce_sum3A_321 : vector<196xi32> to vector<196x1xi32>
    %reduce_max3A_323 = arith.constant dense<0xFF800000> : vector<196xf32>
    %reduce_max3A_324 = vector.multi_reduction <maximumf>, %select_n3A_316, %reduce_max3A_323 [1] : vector<196x8xf32> to vector<196xf32>
    %broadcast_in_dim3A_325 = vector.shape_cast %reduce_max3A_324 : vector<196xf32> to vector<196x1xf32>
    %eq3A_326 = vector.broadcast %broadcast_in_dim3A_325 : vector<196x1xf32> to vector<196x8xf32>
    %eq3A_327 = arith.cmpf oeq, %select_n3A_316, %eq3A_326 : vector<196x8xf32>
    %jit3A_328 = arith.constant 8 : i32
    %broadcast_in_dim3A_329 = vector.broadcast %jit3A_328 : i32 to vector<196x8xi32>
    %select_n3A_330 = arith.select %eq3A_327, %iota3A_2, %broadcast_in_dim3A_329 : vector<196x8xi1>, vector<196x8xi32>
    %reduce_min3A_331 = arith.constant dense<2147483647> : vector<196xi32>
    %reduce_min3A_332 = vector.multi_reduction <minsi>, %select_n3A_330, %reduce_min3A_331 [1] : vector<196x8xi32> to vector<196xi32>
    %broadcast_in_dim3A_333 = vector.shape_cast %reduce_min3A_332 : vector<196xi32> to vector<196x1xi32>
    %eq3A_334 = vector.broadcast %broadcast_in_dim3A_333 : vector<196x1xi32> to vector<196x8xi32>
    %eq3A_335 = arith.cmpi eq, %iota3A_2, %eq3A_334 : vector<196x8xi32>
    %jit3A_336 = arith.constant 0xFF800000 : f32
    %broadcast_in_dim3A_337 = vector.broadcast %jit3A_336 : f32 to vector<196x8xf32>
    %select_n3A_338 = arith.select %eq3A_335, %broadcast_in_dim3A_337, %select_n3A_316 : vector<196x8xi1>, vector<196x8xf32>
    %jit3A_339 = arith.constant 0 : i32
    %broadcast_in_dim3A_340 = vector.broadcast %jit3A_339 : i32 to vector<196x8xi32>
    %select_n3A_341 = arith.select %eq3A_335, %get3A_1, %broadcast_in_dim3A_340 : vector<196x8xi1>, vector<196x8xi32>
    %reduce_sum3A_342 = arith.constant dense<0> : vector<196xi32>
    %reduce_sum3A_343 = vector.multi_reduction <add>, %select_n3A_341, %reduce_sum3A_342 [1] : vector<196x8xi32> to vector<196xi32>
    %broadcast_in_dim3A_344 = vector.shape_cast %reduce_sum3A_343 : vector<196xi32> to vector<196x1xi32>
    %reduce_max3A_345 = arith.constant dense<0xFF800000> : vector<196xf32>
    %reduce_max3A_346 = vector.multi_reduction <maximumf>, %select_n3A_338, %reduce_max3A_345 [1] : vector<196x8xf32> to vector<196xf32>
    %broadcast_in_dim3A_347 = vector.shape_cast %reduce_max3A_346 : vector<196xf32> to vector<196x1xf32>
    %eq3A_348 = vector.broadcast %broadcast_in_dim3A_347 : vector<196x1xf32> to vector<196x8xf32>
    %eq3A_349 = arith.cmpf oeq, %select_n3A_338, %eq3A_348 : vector<196x8xf32>
    %jit3A_350 = arith.constant 8 : i32
    %broadcast_in_dim3A_351 = vector.broadcast %jit3A_350 : i32 to vector<196x8xi32>
    %select_n3A_352 = arith.select %eq3A_349, %iota3A_2, %broadcast_in_dim3A_351 : vector<196x8xi1>, vector<196x8xi32>
    %reduce_min3A_353 = arith.constant dense<2147483647> : vector<196xi32>
    %reduce_min3A_354 = vector.multi_reduction <minsi>, %select_n3A_352, %reduce_min3A_353 [1] : vector<196x8xi32> to vector<196xi32>
    %broadcast_in_dim3A_355 = vector.shape_cast %reduce_min3A_354 : vector<196xi32> to vector<196x1xi32>
    %eq3A_356 = vector.broadcast %broadcast_in_dim3A_355 : vector<196x1xi32> to vector<196x8xi32>
    %eq3A_357 = arith.cmpi eq, %iota3A_2, %eq3A_356 : vector<196x8xi32>
    %jit3A_358 = arith.constant 0 : i32
    %broadcast_in_dim3A_359 = vector.broadcast %jit3A_358 : i32 to vector<196x8xi32>
    %select_n3A_360 = arith.select %eq3A_357, %get3A_1, %broadcast_in_dim3A_359 : vector<196x8xi1>, vector<196x8xi32>
    %reduce_sum3A_361 = arith.constant dense<0> : vector<196xi32>
    %reduce_sum3A_362 = vector.multi_reduction <add>, %select_n3A_360, %reduce_sum3A_361 [1] : vector<196x8xi32> to vector<196xi32>
    %broadcast_in_dim3A_363 = vector.shape_cast %reduce_sum3A_362 : vector<196xi32> to vector<196x1xi32>
    %concatenate3A_364 = tpu.concatenate %broadcast_in_dim3A_289, %broadcast_in_dim3A_311, %broadcast_in_dim3A_333, %broadcast_in_dim3A_355 in 1 : vector<196x1xi32>, vector<196x1xi32>, vector<196x1xi32>, vector<196x1xi32> -> vector<196x4xi32>
    %swap3A_365 = arith.constant 1 : index
    %swap3A_366 = arith.constant 0 : index
    %swap3A_367 = arith.constant 0 : index
    %swap3A_368 = vector.load %arg3[%swap3A_365, %swap3A_366, %swap3A_367] : memref<4x196x4xi32, #tpu.memory_space<vmem>>, vector<1x196x4xi32>
    %swap3A_369 = vector.shape_cast %swap3A_368 : vector<1x196x4xi32> to vector<196x4xi32>
    %swap3A_370 = vector.shape_cast %concatenate3A_364 : vector<196x4xi32> to vector<1x196x4xi32>
    tpu.vector_store %arg3[%swap3A_365, %swap3A_366, %swap3A_367], %swap3A_370 {strides = array<i32>} : memref<4x196x4xi32, #tpu.memory_space<vmem>>, vector<1x196x4xi32>,
    %concatenate3A_371 = tpu.concatenate %broadcast_in_dim3A_300, %broadcast_in_dim3A_322, %broadcast_in_dim3A_344, %broadcast_in_dim3A_363 in 1 : vector<196x1xi32>, vector<196x1xi32>, vector<196x1xi32>, vector<196x1xi32> -> vector<196x4xi32>
    %mul3A_372 = arith.constant 196 : i32
    %mul3A_373 = arith.muli %add3A_187, %mul3A_372 : i32
    %add3A_374 = vector.broadcast %mul3A_373 : i32 to vector<196x4xi32>
    %add3A_375 = arith.addi %concatenate3A_371, %add3A_374 : vector<196x4xi32>
    %swap3A_376 = arith.constant 1 : index
    %swap3A_377 = arith.constant 0 : index
    %swap3A_378 = arith.constant 0 : index
    %swap3A_379 = vector.load %arg4[%swap3A_376, %swap3A_377, %swap3A_378] : memref<4x196x4xi32, #tpu.memory_space<vmem>>, vector<1x196x4xi32>
    %swap3A_380 = vector.shape_cast %swap3A_379 : vector<1x196x4xi32> to vector<196x4xi32>
    %swap3A_381 = vector.shape_cast %add3A_375 : vector<196x4xi32> to vector<1x196x4xi32>
    tpu.vector_store %arg4[%swap3A_376, %swap3A_377, %swap3A_378], %swap3A_381 {strides = array<i32>} : memref<4x196x4xi32, #tpu.memory_space<vmem>>, vector<1x196x4xi32>,
    %mul3A_382 = arith.constant 4 : i32
    %mul3A_383 = arith.muli %arg0, %mul3A_382 : i32
    %add3A_384 = arith.constant 2 : i32
    %add3A_385 = arith.addi %mul3A_383, %add3A_384 : i32
    %get3A_386 = arith.constant 2 : index
    %get3A_387 = arith.constant 0 : index
    %get3A_388 = arith.constant 0 : index
    %get3A_389 = vector.load %arg1[%get3A_386, %get3A_387, %get3A_388] : memref<4x196x768xf32, #tpu.memory_space<vmem>>, vector<1x196x768xf32>
    %get3A_390 = vector.shape_cast %get3A_389 : vector<1x196x768xf32> to vector<196x768xf32>
    %mul3A_391 = arith.mulf %get3A_390, %get3A_390 : vector<196x768xf32>
    %reduce_sum3A_392 = arith.constant dense<0.000000e+00> : vector<196xf32>
    %reduce_sum3A_393 = vector.multi_reduction <add>, %mul3A_391, %reduce_sum3A_392 [1] : vector<196x768xf32> to vector<196xf32>
    %broadcast_in_dim3A_394 = vector.shape_cast %reduce_sum3A_393 : vector<196xf32> to vector<196x1xf32>
    %sqrt3A_395 = math.sqrt %broadcast_in_dim3A_394 : vector<196x1xf32>
    %max3A_396 = arith.constant 9.99999996E-13 : f32
    %max3A_397 = vector.broadcast %max3A_396 : f32 to vector<196x1xf32>
    %max3A_398 = arith.maximumf %sqrt3A_395, %max3A_397 : vector<196x1xf32>
    %div3A_399 = vector.broadcast %max3A_398 : vector<196x1xf32> to vector<196x768xf32>
    %div3A_400 = arith.divf %get3A_390, %div3A_399 : vector<196x768xf32>
    %convert_element_type3A_401 = arith.truncf %div3A_400 : vector<196x768xf32> to vector<196x768xbf16>
    %dot_general3A_402 = arith.constant dense<0.000000e+00> : vector<196x196xf32>
    %dot_general3A_403 = tpu.matmul %convert_element_type3A_401, %convert_element_type3A_401, %dot_general3A_402 {dimension_numbers = #tpu.dot_dimension_numbers<[1], [1], [0], [0], [0, 0, 1, 0], [], []>, transpose_lhs_hint = false} : vector<196x768xbf16>, vector<196x768xbf16>, vector<196x196xf32> -> vector<196x196xf32>
    %slice3A_404 = vector.extract_strided_slice %get3A_1 {offsets = [0, 0], sizes = [196, 1], strides = [1, 1]} : vector<196x8xi32> to vector<196x1xi32>
    %eq3A_405 = vector.broadcast %slice3A_404 : vector<196x1xi32> to vector<196x196xi32>
    %eq3A_406 = arith.cmpi eq, %iota3A, %eq3A_405 : vector<196x196xi32>
    %jit3A_407 = arith.constant 0.000000e+00 : f32
    %broadcast_in_dim3A_408 = vector.broadcast %jit3A_407 : f32 to vector<196x196xf32>
    %select_n3A_409 = arith.select %eq3A_406, %dot_general3A_403, %broadcast_in_dim3A_408 : vector<196x196xi1>, vector<196x196xf32>
    %reduce_sum3A_410 = arith.constant dense<0.000000e+00> : vector<196xf32>
    %reduce_sum3A_411 = vector.multi_reduction <add>, %select_n3A_409, %reduce_sum3A_410 [1] : vector<196x196xf32> to vector<196xf32>
    %broadcast_in_dim3A_412 = vector.shape_cast %reduce_sum3A_411 : vector<196xf32> to vector<196x1xf32>
    %slice3A_413 = vector.extract_strided_slice %get3A_1 {offsets = [0, 1], sizes = [196, 1], strides = [1, 1]} : vector<196x8xi32> to vector<196x1xi32>
    %eq3A_414 = vector.broadcast %slice3A_413 : vector<196x1xi32> to vector<196x196xi32>
    %eq3A_415 = arith.cmpi eq, %iota3A, %eq3A_414 : vector<196x196xi32>
    %jit3A_416 = arith.constant 0.000000e+00 : f32
    %broadcast_in_dim3A_417 = vector.broadcast %jit3A_416 : f32 to vector<196x196xf32>
    %select_n3A_418 = arith.select %eq3A_415, %dot_general3A_403, %broadcast_in_dim3A_417 : vector<196x196xi1>, vector<196x196xf32>
    %reduce_sum3A_419 = arith.constant dense<0.000000e+00> : vector<196xf32>
    %reduce_sum3A_420 = vector.multi_reduction <add>, %select_n3A_418, %reduce_sum3A_419 [1] : vector<196x196xf32> to vector<196xf32>
    %broadcast_in_dim3A_421 = vector.shape_cast %reduce_sum3A_420 : vector<196xf32> to vector<196x1xf32>
    %slice3A_422 = vector.extract_strided_slice %get3A_1 {offsets = [0, 2], sizes = [196, 1], strides = [1, 1]} : vector<196x8xi32> to vector<196x1xi32>
    %eq3A_423 = vector.broadcast %slice3A_422 : vector<196x1xi32> to vector<196x196xi32>
    %eq3A_424 = arith.cmpi eq, %iota3A, %eq3A_423 : vector<196x196xi32>
    %jit3A_425 = arith.constant 0.000000e+00 : f32
    %broadcast_in_dim3A_426 = vector.broadcast %jit3A_425 : f32 to vector<196x196xf32>
    %select_n3A_427 = arith.select %eq3A_424, %dot_general3A_403, %broadcast_in_dim3A_426 : vector<196x196xi1>, vector<196x196xf32>
    %reduce_sum3A_428 = arith.constant dense<0.000000e+00> : vector<196xf32>
    %reduce_sum3A_429 = vector.multi_reduction <add>, %select_n3A_427, %reduce_sum3A_428 [1] : vector<196x196xf32> to vector<196xf32>
    %broadcast_in_dim3A_430 = vector.shape_cast %reduce_sum3A_429 : vector<196xf32> to vector<196x1xf32>
    %slice3A_431 = vector.extract_strided_slice %get3A_1 {offsets = [0, 3], sizes = [196, 1], strides = [1, 1]} : vector<196x8xi32> to vector<196x1xi32>
    %eq3A_432 = vector.broadcast %slice3A_431 : vector<196x1xi32> to vector<196x196xi32>
    %eq3A_433 = arith.cmpi eq, %iota3A, %eq3A_432 : vector<196x196xi32>
    %jit3A_434 = arith.constant 0.000000e+00 : f32
    %broadcast_in_dim3A_435 = vector.broadcast %jit3A_434 : f32 to vector<196x196xf32>
    %select_n3A_436 = arith.select %eq3A_433, %dot_general3A_403, %broadcast_in_dim3A_435 : vector<196x196xi1>, vector<196x196xf32>
    %reduce_sum3A_437 = arith.constant dense<0.000000e+00> : vector<196xf32>
    %reduce_sum3A_438 = vector.multi_reduction <add>, %select_n3A_436, %reduce_sum3A_437 [1] : vector<196x196xf32> to vector<196xf32>
    %broadcast_in_dim3A_439 = vector.shape_cast %reduce_sum3A_438 : vector<196xf32> to vector<196x1xf32>
    %slice3A_440 = vector.extract_strided_slice %get3A_1 {offsets = [0, 4], sizes = [196, 1], strides = [1, 1]} : vector<196x8xi32> to vector<196x1xi32>
    %eq3A_441 = vector.broadcast %slice3A_440 : vector<196x1xi32> to vector<196x196xi32>
    %eq3A_442 = arith.cmpi eq, %iota3A, %eq3A_441 : vector<196x196xi32>
    %jit3A_443 = arith.constant 0.000000e+00 : f32
    %broadcast_in_dim3A_444 = vector.broadcast %jit3A_443 : f32 to vector<196x196xf32>
    %select_n3A_445 = arith.select %eq3A_442, %dot_general3A_403, %broadcast_in_dim3A_444 : vector<196x196xi1>, vector<196x196xf32>
    %reduce_sum3A_446 = arith.constant dense<0.000000e+00> : vector<196xf32>
    %reduce_sum3A_447 = vector.multi_reduction <add>, %select_n3A_445, %reduce_sum3A_446 [1] : vector<196x196xf32> to vector<196xf32>
    %broadcast_in_dim3A_448 = vector.shape_cast %reduce_sum3A_447 : vector<196xf32> to vector<196x1xf32>
    %slice3A_449 = vector.extract_strided_slice %get3A_1 {offsets = [0, 5], sizes = [196, 1], strides = [1, 1]} : vector<196x8xi32> to vector<196x1xi32>
    %eq3A_450 = vector.broadcast %slice3A_449 : vector<196x1xi32> to vector<196x196xi32>
    %eq3A_451 = arith.cmpi eq, %iota3A, %eq3A_450 : vector<196x196xi32>
    %jit3A_452 = arith.constant 0.000000e+00 : f32
    %broadcast_in_dim3A_453 = vector.broadcast %jit3A_452 : f32 to vector<196x196xf32>
    %select_n3A_454 = arith.select %eq3A_451, %dot_general3A_403, %broadcast_in_dim3A_453 : vector<196x196xi1>, vector<196x196xf32>
    %reduce_sum3A_455 = arith.constant dense<0.000000e+00> : vector<196xf32>
    %reduce_sum3A_456 = vector.multi_reduction <add>, %select_n3A_454, %reduce_sum3A_455 [1] : vector<196x196xf32> to vector<196xf32>
    %broadcast_in_dim3A_457 = vector.shape_cast %reduce_sum3A_456 : vector<196xf32> to vector<196x1xf32>
    %slice3A_458 = vector.extract_strided_slice %get3A_1 {offsets = [0, 6], sizes = [196, 1], strides = [1, 1]} : vector<196x8xi32> to vector<196x1xi32>
    %eq3A_459 = vector.broadcast %slice3A_458 : vector<196x1xi32> to vector<196x196xi32>
    %eq3A_460 = arith.cmpi eq, %iota3A, %eq3A_459 : vector<196x196xi32>
    %jit3A_461 = arith.constant 0.000000e+00 : f32
    %broadcast_in_dim3A_462 = vector.broadcast %jit3A_461 : f32 to vector<196x196xf32>
    %select_n3A_463 = arith.select %eq3A_460, %dot_general3A_403, %broadcast_in_dim3A_462 : vector<196x196xi1>, vector<196x196xf32>
    %reduce_sum3A_464 = arith.constant dense<0.000000e+00> : vector<196xf32>
    %reduce_sum3A_465 = vector.multi_reduction <add>, %select_n3A_463, %reduce_sum3A_464 [1] : vector<196x196xf32> to vector<196xf32>
    %broadcast_in_dim3A_466 = vector.shape_cast %reduce_sum3A_465 : vector<196xf32> to vector<196x1xf32>
    %slice3A_467 = vector.extract_strided_slice %get3A_1 {offsets = [0, 7], sizes = [196, 1], strides = [1, 1]} : vector<196x8xi32> to vector<196x1xi32>
    %eq3A_468 = vector.broadcast %slice3A_467 : vector<196x1xi32> to vector<196x196xi32>
    %eq3A_469 = arith.cmpi eq, %iota3A, %eq3A_468 : vector<196x196xi32>
    %jit3A_470 = arith.constant 0.000000e+00 : f32
    %broadcast_in_dim3A_471 = vector.broadcast %jit3A_470 : f32 to vector<196x196xf32>
    %select_n3A_472 = arith.select %eq3A_469, %dot_general3A_403, %broadcast_in_dim3A_471 : vector<196x196xi1>, vector<196x196xf32>
    %reduce_sum3A_473 = arith.constant dense<0.000000e+00> : vector<196xf32>
    %reduce_sum3A_474 = vector.multi_reduction <add>, %select_n3A_472, %reduce_sum3A_473 [1] : vector<196x196xf32> to vector<196xf32>
    %broadcast_in_dim3A_475 = vector.shape_cast %reduce_sum3A_474 : vector<196xf32> to vector<196x1xf32>
    %concatenate3A_476 = tpu.concatenate %broadcast_in_dim3A_412, %broadcast_in_dim3A_421, %broadcast_in_dim3A_430, %broadcast_in_dim3A_439, %broadcast_in_dim3A_448, %broadcast_in_dim3A_457, %broadcast_in_dim3A_466, %broadcast_in_dim3A_475 in 1 : vector<196x1xf32>, vector<196x1xf32>, vector<196x1xf32>, vector<196x1xf32>, vector<196x1xf32>, vector<196x1xf32>, vector<196x1xf32>, vector<196x1xf32> -> vector<196x8xf32>
    %reduce_max3A_477 = arith.constant dense<0xFF800000> : vector<196xf32>
    %reduce_max3A_478 = vector.multi_reduction <maximumf>, %concatenate3A_476, %reduce_max3A_477 [1] : vector<196x8xf32> to vector<196xf32>
    %broadcast_in_dim3A_479 = vector.shape_cast %reduce_max3A_478 : vector<196xf32> to vector<196x1xf32>
    %eq3A_480 = vector.broadcast %broadcast_in_dim3A_479 : vector<196x1xf32> to vector<196x8xf32>
    %eq3A_481 = arith.cmpf oeq, %concatenate3A_476, %eq3A_480 : vector<196x8xf32>
    %jit3A_482 = arith.constant 8 : i32
    %broadcast_in_dim3A_483 = vector.broadcast %jit3A_482 : i32 to vector<196x8xi32>
    %select_n3A_484 = arith.select %eq3A_481, %iota3A_2, %broadcast_in_dim3A_483 : vector<196x8xi1>, vector<196x8xi32>
    %reduce_min3A_485 = arith.constant dense<2147483647> : vector<196xi32>
    %reduce_min3A_486 = vector.multi_reduction <minsi>, %select_n3A_484, %reduce_min3A_485 [1] : vector<196x8xi32> to vector<196xi32>
    %broadcast_in_dim3A_487 = vector.shape_cast %reduce_min3A_486 : vector<196xi32> to vector<196x1xi32>
    %eq3A_488 = vector.broadcast %broadcast_in_dim3A_487 : vector<196x1xi32> to vector<196x8xi32>
    %eq3A_489 = arith.cmpi eq, %iota3A_2, %eq3A_488 : vector<196x8xi32>
    %jit3A_490 = arith.constant 0xFF800000 : f32
    %broadcast_in_dim3A_491 = vector.broadcast %jit3A_490 : f32 to vector<196x8xf32>
    %select_n3A_492 = arith.select %eq3A_489, %broadcast_in_dim3A_491, %concatenate3A_476 : vector<196x8xi1>, vector<196x8xf32>
    %jit3A_493 = arith.constant 0 : i32
    %broadcast_in_dim3A_494 = vector.broadcast %jit3A_493 : i32 to vector<196x8xi32>
    %select_n3A_495 = arith.select %eq3A_489, %get3A_1, %broadcast_in_dim3A_494 : vector<196x8xi1>, vector<196x8xi32>
    %reduce_sum3A_496 = arith.constant dense<0> : vector<196xi32>
    %reduce_sum3A_497 = vector.multi_reduction <add>, %select_n3A_495, %reduce_sum3A_496 [1] : vector<196x8xi32> to vector<196xi32>
    %broadcast_in_dim3A_498 = vector.shape_cast %reduce_sum3A_497 : vector<196xi32> to vector<196x1xi32>
    %reduce_max3A_499 = arith.constant dense<0xFF800000> : vector<196xf32>
    %reduce_max3A_500 = vector.multi_reduction <maximumf>, %select_n3A_492, %reduce_max3A_499 [1] : vector<196x8xf32> to vector<196xf32>
    %broadcast_in_dim3A_501 = vector.shape_cast %reduce_max3A_500 : vector<196xf32> to vector<196x1xf32>
    %eq3A_502 = vector.broadcast %broadcast_in_dim3A_501 : vector<196x1xf32> to vector<196x8xf32>
    %eq3A_503 = arith.cmpf oeq, %select_n3A_492, %eq3A_502 : vector<196x8xf32>
    %jit3A_504 = arith.constant 8 : i32
    %broadcast_in_dim3A_505 = vector.broadcast %jit3A_504 : i32 to vector<196x8xi32>
    %select_n3A_506 = arith.select %eq3A_503, %iota3A_2, %broadcast_in_dim3A_505 : vector<196x8xi1>, vector<196x8xi32>
    %reduce_min3A_507 = arith.constant dense<2147483647> : vector<196xi32>
    %reduce_min3A_508 = vector.multi_reduction <minsi>, %select_n3A_506, %reduce_min3A_507 [1] : vector<196x8xi32> to vector<196xi32>
    %broadcast_in_dim3A_509 = vector.shape_cast %reduce_min3A_508 : vector<196xi32> to vector<196x1xi32>
    %eq3A_510 = vector.broadcast %broadcast_in_dim3A_509 : vector<196x1xi32> to vector<196x8xi32>
    %eq3A_511 = arith.cmpi eq, %iota3A_2, %eq3A_510 : vector<196x8xi32>
    %jit3A_512 = arith.constant 0xFF800000 : f32
    %broadcast_in_dim3A_513 = vector.broadcast %jit3A_512 : f32 to vector<196x8xf32>
    %select_n3A_514 = arith.select %eq3A_511, %broadcast_in_dim3A_513, %select_n3A_492 : vector<196x8xi1>, vector<196x8xf32>
    %jit3A_515 = arith.constant 0 : i32
    %broadcast_in_dim3A_516 = vector.broadcast %jit3A_515 : i32 to vector<196x8xi32>
    %select_n3A_517 = arith.select %eq3A_511, %get3A_1, %broadcast_in_dim3A_516 : vector<196x8xi1>, vector<196x8xi32>
    %reduce_sum3A_518 = arith.constant dense<0> : vector<196xi32>
    %reduce_sum3A_519 = vector.multi_reduction <add>, %select_n3A_517, %reduce_sum3A_518 [1] : vector<196x8xi32> to vector<196xi32>
    %broadcast_in_dim3A_520 = vector.shape_cast %reduce_sum3A_519 : vector<196xi32> to vector<196x1xi32>
    %reduce_max3A_521 = arith.constant dense<0xFF800000> : vector<196xf32>
    %reduce_max3A_522 = vector.multi_reduction <maximumf>, %select_n3A_514, %reduce_max3A_521 [1] : vector<196x8xf32> to vector<196xf32>
    %broadcast_in_dim3A_523 = vector.shape_cast %reduce_max3A_522 : vector<196xf32> to vector<196x1xf32>
    %eq3A_524 = vector.broadcast %broadcast_in_dim3A_523 : vector<196x1xf32> to vector<196x8xf32>
    %eq3A_525 = arith.cmpf oeq, %select_n3A_514, %eq3A_524 : vector<196x8xf32>
    %jit3A_526 = arith.constant 8 : i32
    %broadcast_in_dim3A_527 = vector.broadcast %jit3A_526 : i32 to vector<196x8xi32>
    %select_n3A_528 = arith.select %eq3A_525, %iota3A_2, %broadcast_in_dim3A_527 : vector<196x8xi1>, vector<196x8xi32>
    %reduce_min3A_529 = arith.constant dense<2147483647> : vector<196xi32>
    %reduce_min3A_530 = vector.multi_reduction <minsi>, %select_n3A_528, %reduce_min3A_529 [1] : vector<196x8xi32> to vector<196xi32>
    %broadcast_in_dim3A_531 = vector.shape_cast %reduce_min3A_530 : vector<196xi32> to vector<196x1xi32>
    %eq3A_532 = vector.broadcast %broadcast_in_dim3A_531 : vector<196x1xi32> to vector<196x8xi32>
    %eq3A_533 = arith.cmpi eq, %iota3A_2, %eq3A_532 : vector<196x8xi32>
    %jit3A_534 = arith.constant 0xFF800000 : f32
    %broadcast_in_dim3A_535 = vector.broadcast %jit3A_534 : f32 to vector<196x8xf32>
    %select_n3A_536 = arith.select %eq3A_533, %broadcast_in_dim3A_535, %select_n3A_514 : vector<196x8xi1>, vector<196x8xf32>
    %jit3A_537 = arith.constant 0 : i32
    %broadcast_in_dim3A_538 = vector.broadcast %jit3A_537 : i32 to vector<196x8xi32>
    %select_n3A_539 = arith.select %eq3A_533, %get3A_1, %broadcast_in_dim3A_538 : vector<196x8xi1>, vector<196x8xi32>
    %reduce_sum3A_540 = arith.constant dense<0> : vector<196xi32>
    %reduce_sum3A_541 = vector.multi_reduction <add>, %select_n3A_539, %reduce_sum3A_540 [1] : vector<196x8xi32> to vector<196xi32>
    %broadcast_in_dim3A_542 = vector.shape_cast %reduce_sum3A_541 : vector<196xi32> to vector<196x1xi32>
    %reduce_max3A_543 = arith.constant dense<0xFF800000> : vector<196xf32>
    %reduce_max3A_544 = vector.multi_reduction <maximumf>, %select_n3A_536, %reduce_max3A_543 [1] : vector<196x8xf32> to vector<196xf32>
    %broadcast_in_dim3A_545 = vector.shape_cast %reduce_max3A_544 : vector<196xf32> to vector<196x1xf32>
    %eq3A_546 = vector.broadcast %broadcast_in_dim3A_545 : vector<196x1xf32> to vector<196x8xf32>
    %eq3A_547 = arith.cmpf oeq, %select_n3A_536, %eq3A_546 : vector<196x8xf32>
    %jit3A_548 = arith.constant 8 : i32
    %broadcast_in_dim3A_549 = vector.broadcast %jit3A_548 : i32 to vector<196x8xi32>
    %select_n3A_550 = arith.select %eq3A_547, %iota3A_2, %broadcast_in_dim3A_549 : vector<196x8xi1>, vector<196x8xi32>
    %reduce_min3A_551 = arith.constant dense<2147483647> : vector<196xi32>
    %reduce_min3A_552 = vector.multi_reduction <minsi>, %select_n3A_550, %reduce_min3A_551 [1] : vector<196x8xi32> to vector<196xi32>
    %broadcast_in_dim3A_553 = vector.shape_cast %reduce_min3A_552 : vector<196xi32> to vector<196x1xi32>
    %eq3A_554 = vector.broadcast %broadcast_in_dim3A_553 : vector<196x1xi32> to vector<196x8xi32>
    %eq3A_555 = arith.cmpi eq, %iota3A_2, %eq3A_554 : vector<196x8xi32>
    %jit3A_556 = arith.constant 0 : i32
    %broadcast_in_dim3A_557 = vector.broadcast %jit3A_556 : i32 to vector<196x8xi32>
    %select_n3A_558 = arith.select %eq3A_555, %get3A_1, %broadcast_in_dim3A_557 : vector<196x8xi1>, vector<196x8xi32>
    %reduce_sum3A_559 = arith.constant dense<0> : vector<196xi32>
    %reduce_sum3A_560 = vector.multi_reduction <add>, %select_n3A_558, %reduce_sum3A_559 [1] : vector<196x8xi32> to vector<196xi32>
    %broadcast_in_dim3A_561 = vector.shape_cast %reduce_sum3A_560 : vector<196xi32> to vector<196x1xi32>
    %concatenate3A_562 = tpu.concatenate %broadcast_in_dim3A_487, %broadcast_in_dim3A_509, %broadcast_in_dim3A_531, %broadcast_in_dim3A_553 in 1 : vector<196x1xi32>, vector<196x1xi32>, vector<196x1xi32>, vector<196x1xi32> -> vector<196x4xi32>
    %swap3A_563 = arith.constant 2 : index
    %swap3A_564 = arith.constant 0 : index
    %swap3A_565 = arith.constant 0 : index
    %swap3A_566 = vector.load %arg3[%swap3A_563, %swap3A_564, %swap3A_565] : memref<4x196x4xi32, #tpu.memory_space<vmem>>, vector<1x196x4xi32>
    %swap3A_567 = vector.shape_cast %swap3A_566 : vector<1x196x4xi32> to vector<196x4xi32>
    %swap3A_568 = vector.shape_cast %concatenate3A_562 : vector<196x4xi32> to vector<1x196x4xi32>
    tpu.vector_store %arg3[%swap3A_563, %swap3A_564, %swap3A_565], %swap3A_568 {strides = array<i32>} : memref<4x196x4xi32, #tpu.memory_space<vmem>>, vector<1x196x4xi32>,
    %concatenate3A_569 = tpu.concatenate %broadcast_in_dim3A_498, %broadcast_in_dim3A_520, %broadcast_in_dim3A_542, %broadcast_in_dim3A_561 in 1 : vector<196x1xi32>, vector<196x1xi32>, vector<196x1xi32>, vector<196x1xi32> -> vector<196x4xi32>
    %mul3A_570 = arith.constant 196 : i32
    %mul3A_571 = arith.muli %add3A_385, %mul3A_570 : i32
    %add3A_572 = vector.broadcast %mul3A_571 : i32 to vector<196x4xi32>
    %add3A_573 = arith.addi %concatenate3A_569, %add3A_572 : vector<196x4xi32>
    %swap3A_574 = arith.constant 2 : index
    %swap3A_575 = arith.constant 0 : index
    %swap3A_576 = arith.constant 0 : index
    %swap3A_577 = vector.load %arg4[%swap3A_574, %swap3A_575, %swap3A_576] : memref<4x196x4xi32, #tpu.memory_space<vmem>>, vector<1x196x4xi32>
    %swap3A_578 = vector.shape_cast %swap3A_577 : vector<1x196x4xi32> to vector<196x4xi32>
    %swap3A_579 = vector.shape_cast %add3A_573 : vector<196x4xi32> to vector<1x196x4xi32>
    tpu.vector_store %arg4[%swap3A_574, %swap3A_575, %swap3A_576], %swap3A_579 {strides = array<i32>} : memref<4x196x4xi32, #tpu.memory_space<vmem>>, vector<1x196x4xi32>,
    %mul3A_580 = arith.constant 4 : i32
    %mul3A_581 = arith.muli %arg0, %mul3A_580 : i32
    %add3A_582 = arith.constant 3 : i32
    %add3A_583 = arith.addi %mul3A_581, %add3A_582 : i32
    %get3A_584 = arith.constant 3 : index
    %get3A_585 = arith.constant 0 : index
    %get3A_586 = arith.constant 0 : index
    %get3A_587 = vector.load %arg1[%get3A_584, %get3A_585, %get3A_586] : memref<4x196x768xf32, #tpu.memory_space<vmem>>, vector<1x196x768xf32>
    %get3A_588 = vector.shape_cast %get3A_587 : vector<1x196x768xf32> to vector<196x768xf32>
    %mul3A_589 = arith.mulf %get3A_588, %get3A_588 : vector<196x768xf32>
    %reduce_sum3A_590 = arith.constant dense<0.000000e+00> : vector<196xf32>
    %reduce_sum3A_591 = vector.multi_reduction <add>, %mul3A_589, %reduce_sum3A_590 [1] : vector<196x768xf32> to vector<196xf32>
    %broadcast_in_dim3A_592 = vector.shape_cast %reduce_sum3A_591 : vector<196xf32> to vector<196x1xf32>
    %sqrt3A_593 = math.sqrt %broadcast_in_dim3A_592 : vector<196x1xf32>
    %max3A_594 = arith.constant 9.99999996E-13 : f32
    %max3A_595 = vector.broadcast %max3A_594 : f32 to vector<196x1xf32>
    %max3A_596 = arith.maximumf %sqrt3A_593, %max3A_595 : vector<196x1xf32>
    %div3A_597 = vector.broadcast %max3A_596 : vector<196x1xf32> to vector<196x768xf32>
    %div3A_598 = arith.divf %get3A_588, %div3A_597 : vector<196x768xf32>
    %convert_element_type3A_599 = arith.truncf %div3A_598 : vector<196x768xf32> to vector<196x768xbf16>
    %dot_general3A_600 = arith.constant dense<0.000000e+00> : vector<196x196xf32>
    %dot_general3A_601 = tpu.matmul %convert_element_type3A_599, %convert_element_type3A_599, %dot_general3A_600 {dimension_numbers = #tpu.dot_dimension_numbers<[1], [1], [0], [0], [0, 0, 1, 0], [], []>, transpose_lhs_hint = false} : vector<196x768xbf16>, vector<196x768xbf16>, vector<196x196xf32> -> vector<196x196xf32>
    %slice3A_602 = vector.extract_strided_slice %get3A_1 {offsets = [0, 0], sizes = [196, 1], strides = [1, 1]} : vector<196x8xi32> to vector<196x1xi32>
    %eq3A_603 = vector.broadcast %slice3A_602 : vector<196x1xi32> to vector<196x196xi32>
    %eq3A_604 = arith.cmpi eq, %iota3A, %eq3A_603 : vector<196x196xi32>
    %jit3A_605 = arith.constant 0.000000e+00 : f32
    %broadcast_in_dim3A_606 = vector.broadcast %jit3A_605 : f32 to vector<196x196xf32>
    %select_n3A_607 = arith.select %eq3A_604, %dot_general3A_601, %broadcast_in_dim3A_606 : vector<196x196xi1>, vector<196x196xf32>
    %reduce_sum3A_608 = arith.constant dense<0.000000e+00> : vector<196xf32>
    %reduce_sum3A_609 = vector.multi_reduction <add>, %select_n3A_607, %reduce_sum3A_608 [1] : vector<196x196xf32> to vector<196xf32>
    %broadcast_in_dim3A_610 = vector.shape_cast %reduce_sum3A_609 : vector<196xf32> to vector<196x1xf32>
    %slice3A_611 = vector.extract_strided_slice %get3A_1 {offsets = [0, 1], sizes = [196, 1], strides = [1, 1]} : vector<196x8xi32> to vector<196x1xi32>
    %eq3A_612 = vector.broadcast %slice3A_611 : vector<196x1xi32> to vector<196x196xi32>
    %eq3A_613 = arith.cmpi eq, %iota3A, %eq3A_612 : vector<196x196xi32>
    %jit3A_614 = arith.constant 0.000000e+00 : f32
    %broadcast_in_dim3A_615 = vector.broadcast %jit3A_614 : f32 to vector<196x196xf32>
    %select_n3A_616 = arith.select %eq3A_613, %dot_general3A_601, %broadcast_in_dim3A_615 : vector<196x196xi1>, vector<196x196xf32>
    %reduce_sum3A_617 = arith.constant dense<0.000000e+00> : vector<196xf32>
    %reduce_sum3A_618 = vector.multi_reduction <add>, %select_n3A_616, %reduce_sum3A_617 [1] : vector<196x196xf32> to vector<196xf32>
    %broadcast_in_dim3A_619 = vector.shape_cast %reduce_sum3A_618 : vector<196xf32> to vector<196x1xf32>
    %slice3A_620 = vector.extract_strided_slice %get3A_1 {offsets = [0, 2], sizes = [196, 1], strides = [1, 1]} : vector<196x8xi32> to vector<196x1xi32>
    %eq3A_621 = vector.broadcast %slice3A_620 : vector<196x1xi32> to vector<196x196xi32>
    %eq3A_622 = arith.cmpi eq, %iota3A, %eq3A_621 : vector<196x196xi32>
    %jit3A_623 = arith.constant 0.000000e+00 : f32
    %broadcast_in_dim3A_624 = vector.broadcast %jit3A_623 : f32 to vector<196x196xf32>
    %select_n3A_625 = arith.select %eq3A_622, %dot_general3A_601, %broadcast_in_dim3A_624 : vector<196x196xi1>, vector<196x196xf32>
    %reduce_sum3A_626 = arith.constant dense<0.000000e+00> : vector<196xf32>
    %reduce_sum3A_627 = vector.multi_reduction <add>, %select_n3A_625, %reduce_sum3A_626 [1] : vector<196x196xf32> to vector<196xf32>
    %broadcast_in_dim3A_628 = vector.shape_cast %reduce_sum3A_627 : vector<196xf32> to vector<196x1xf32>
    %slice3A_629 = vector.extract_strided_slice %get3A_1 {offsets = [0, 3], sizes = [196, 1], strides = [1, 1]} : vector<196x8xi32> to vector<196x1xi32>
    %eq3A_630 = vector.broadcast %slice3A_629 : vector<196x1xi32> to vector<196x196xi32>
    %eq3A_631 = arith.cmpi eq, %iota3A, %eq3A_630 : vector<196x196xi32>
    %jit3A_632 = arith.constant 0.000000e+00 : f32
    %broadcast_in_dim3A_633 = vector.broadcast %jit3A_632 : f32 to vector<196x196xf32>
    %select_n3A_634 = arith.select %eq3A_631, %dot_general3A_601, %broadcast_in_dim3A_633 : vector<196x196xi1>, vector<196x196xf32>
    %reduce_sum3A_635 = arith.constant dense<0.000000e+00> : vector<196xf32>
    %reduce_sum3A_636 = vector.multi_reduction <add>, %select_n3A_634, %reduce_sum3A_635 [1] : vector<196x196xf32> to vector<196xf32>
    %broadcast_in_dim3A_637 = vector.shape_cast %reduce_sum3A_636 : vector<196xf32> to vector<196x1xf32>
    %slice3A_638 = vector.extract_strided_slice %get3A_1 {offsets = [0, 4], sizes = [196, 1], strides = [1, 1]} : vector<196x8xi32> to vector<196x1xi32>
    %eq3A_639 = vector.broadcast %slice3A_638 : vector<196x1xi32> to vector<196x196xi32>
    %eq3A_640 = arith.cmpi eq, %iota3A, %eq3A_639 : vector<196x196xi32>
    %jit3A_641 = arith.constant 0.000000e+00 : f32
    %broadcast_in_dim3A_642 = vector.broadcast %jit3A_641 : f32 to vector<196x196xf32>
    %select_n3A_643 = arith.select %eq3A_640, %dot_general3A_601, %broadcast_in_dim3A_642 : vector<196x196xi1>, vector<196x196xf32>
    %reduce_sum3A_644 = arith.constant dense<0.000000e+00> : vector<196xf32>
    %reduce_sum3A_645 = vector.multi_reduction <add>, %select_n3A_643, %reduce_sum3A_644 [1] : vector<196x196xf32> to vector<196xf32>
    %broadcast_in_dim3A_646 = vector.shape_cast %reduce_sum3A_645 : vector<196xf32> to vector<196x1xf32>
    %slice3A_647 = vector.extract_strided_slice %get3A_1 {offsets = [0, 5], sizes = [196, 1], strides = [1, 1]} : vector<196x8xi32> to vector<196x1xi32>
    %eq3A_648 = vector.broadcast %slice3A_647 : vector<196x1xi32> to vector<196x196xi32>
    %eq3A_649 = arith.cmpi eq, %iota3A, %eq3A_648 : vector<196x196xi32>
    %jit3A_650 = arith.constant 0.000000e+00 : f32
    %broadcast_in_dim3A_651 = vector.broadcast %jit3A_650 : f32 to vector<196x196xf32>
    %select_n3A_652 = arith.select %eq3A_649, %dot_general3A_601, %broadcast_in_dim3A_651 : vector<196x196xi1>, vector<196x196xf32>
    %reduce_sum3A_653 = arith.constant dense<0.000000e+00> : vector<196xf32>
    %reduce_sum3A_654 = vector.multi_reduction <add>, %select_n3A_652, %reduce_sum3A_653 [1] : vector<196x196xf32> to vector<196xf32>
    %broadcast_in_dim3A_655 = vector.shape_cast %reduce_sum3A_654 : vector<196xf32> to vector<196x1xf32>
    %slice3A_656 = vector.extract_strided_slice %get3A_1 {offsets = [0, 6], sizes = [196, 1], strides = [1, 1]} : vector<196x8xi32> to vector<196x1xi32>
    %eq3A_657 = vector.broadcast %slice3A_656 : vector<196x1xi32> to vector<196x196xi32>
    %eq3A_658 = arith.cmpi eq, %iota3A, %eq3A_657 : vector<196x196xi32>
    %jit3A_659 = arith.constant 0.000000e+00 : f32
    %broadcast_in_dim3A_660 = vector.broadcast %jit3A_659 : f32 to vector<196x196xf32>
    %select_n3A_661 = arith.select %eq3A_658, %dot_general3A_601, %broadcast_in_dim3A_660 : vector<196x196xi1>, vector<196x196xf32>
    %reduce_sum3A_662 = arith.constant dense<0.000000e+00> : vector<196xf32>
    %reduce_sum3A_663 = vector.multi_reduction <add>, %select_n3A_661, %reduce_sum3A_662 [1] : vector<196x196xf32> to vector<196xf32>
    %broadcast_in_dim3A_664 = vector.shape_cast %reduce_sum3A_663 : vector<196xf32> to vector<196x1xf32>
    %slice3A_665 = vector.extract_strided_slice %get3A_1 {offsets = [0, 7], sizes = [196, 1], strides = [1, 1]} : vector<196x8xi32> to vector<196x1xi32>
    %eq3A_666 = vector.broadcast %slice3A_665 : vector<196x1xi32> to vector<196x196xi32>
    %eq3A_667 = arith.cmpi eq, %iota3A, %eq3A_666 : vector<196x196xi32>
    %jit3A_668 = arith.constant 0.000000e+00 : f32
    %broadcast_in_dim3A_669 = vector.broadcast %jit3A_668 : f32 to vector<196x196xf32>
    %select_n3A_670 = arith.select %eq3A_667, %dot_general3A_601, %broadcast_in_dim3A_669 : vector<196x196xi1>, vector<196x196xf32>
    %reduce_sum3A_671 = arith.constant dense<0.000000e+00> : vector<196xf32>
    %reduce_sum3A_672 = vector.multi_reduction <add>, %select_n3A_670, %reduce_sum3A_671 [1] : vector<196x196xf32> to vector<196xf32>
    %broadcast_in_dim3A_673 = vector.shape_cast %reduce_sum3A_672 : vector<196xf32> to vector<196x1xf32>
    %concatenate3A_674 = tpu.concatenate %broadcast_in_dim3A_610, %broadcast_in_dim3A_619, %broadcast_in_dim3A_628, %broadcast_in_dim3A_637, %broadcast_in_dim3A_646, %broadcast_in_dim3A_655, %broadcast_in_dim3A_664, %broadcast_in_dim3A_673 in 1 : vector<196x1xf32>, vector<196x1xf32>, vector<196x1xf32>, vector<196x1xf32>, vector<196x1xf32>, vector<196x1xf32>, vector<196x1xf32>, vector<196x1xf32> -> vector<196x8xf32>
    %reduce_max3A_675 = arith.constant dense<0xFF800000> : vector<196xf32>
    %reduce_max3A_676 = vector.multi_reduction <maximumf>, %concatenate3A_674, %reduce_max3A_675 [1] : vector<196x8xf32> to vector<196xf32>
    %broadcast_in_dim3A_677 = vector.shape_cast %reduce_max3A_676 : vector<196xf32> to vector<196x1xf32>
    %eq3A_678 = vector.broadcast %broadcast_in_dim3A_677 : vector<196x1xf32> to vector<196x8xf32>
    %eq3A_679 = arith.cmpf oeq, %concatenate3A_674, %eq3A_678 : vector<196x8xf32>
    %jit3A_680 = arith.constant 8 : i32
    %broadcast_in_dim3A_681 = vector.broadcast %jit3A_680 : i32 to vector<196x8xi32>
    %select_n3A_682 = arith.select %eq3A_679, %iota3A_2, %broadcast_in_dim3A_681 : vector<196x8xi1>, vector<196x8xi32>
    %reduce_min3A_683 = arith.constant dense<2147483647> : vector<196xi32>
    %reduce_min3A_684 = vector.multi_reduction <minsi>, %select_n3A_682, %reduce_min3A_683 [1] : vector<196x8xi32> to vector<196xi32>
    %broadcast_in_dim3A_685 = vector.shape_cast %reduce_min3A_684 : vector<196xi32> to vector<196x1xi32>
    %eq3A_686 = vector.broadcast %broadcast_in_dim3A_685 : vector<196x1xi32> to vector<196x8xi32>
    %eq3A_687 = arith.cmpi eq, %iota3A_2, %eq3A_686 : vector<196x8xi32>
    %jit3A_688 = arith.constant 0xFF800000 : f32
    %broadcast_in_dim3A_689 = vector.broadcast %jit3A_688 : f32 to vector<196x8xf32>
    %select_n3A_690 = arith.select %eq3A_687, %broadcast_in_dim3A_689, %concatenate3A_674 : vector<196x8xi1>, vector<196x8xf32>
    %jit3A_691 = arith.constant 0 : i32
    %broadcast_in_dim3A_692 = vector.broadcast %jit3A_691 : i32 to vector<196x8xi32>
    %select_n3A_693 = arith.select %eq3A_687, %get3A_1, %broadcast_in_dim3A_692 : vector<196x8xi1>, vector<196x8xi32>
    %reduce_sum3A_694 = arith.constant dense<0> : vector<196xi32>
    %reduce_sum3A_695 = vector.multi_reduction <add>, %select_n3A_693, %reduce_sum3A_694 [1] : vector<196x8xi32> to vector<196xi32>
    %broadcast_in_dim3A_696 = vector.shape_cast %reduce_sum3A_695 : vector<196xi32> to vector<196x1xi32>
    %reduce_max3A_697 = arith.constant dense<0xFF800000> : vector<196xf32>
    %reduce_max3A_698 = vector.multi_reduction <maximumf>, %select_n3A_690, %reduce_max3A_697 [1] : vector<196x8xf32> to vector<196xf32>
    %broadcast_in_dim3A_699 = vector.shape_cast %reduce_max3A_698 : vector<196xf32> to vector<196x1xf32>
    %eq3A_700 = vector.broadcast %broadcast_in_dim3A_699 : vector<196x1xf32> to vector<196x8xf32>
    %eq3A_701 = arith.cmpf oeq, %select_n3A_690, %eq3A_700 : vector<196x8xf32>
    %jit3A_702 = arith.constant 8 : i32
    %broadcast_in_dim3A_703 = vector.broadcast %jit3A_702 : i32 to vector<196x8xi32>
    %select_n3A_704 = arith.select %eq3A_701, %iota3A_2, %broadcast_in_dim3A_703 : vector<196x8xi1>, vector<196x8xi32>
    %reduce_min3A_705 = arith.constant dense<2147483647> : vector<196xi32>
    %reduce_min3A_706 = vector.multi_reduction <minsi>, %select_n3A_704, %reduce_min3A_705 [1] : vector<196x8xi32> to vector<196xi32>
    %broadcast_in_dim3A_707 = vector.shape_cast %reduce_min3A_706 : vector<196xi32> to vector<196x1xi32>
    %eq3A_708 = vector.broadcast %broadcast_in_dim3A_707 : vector<196x1xi32> to vector<196x8xi32>
    %eq3A_709 = arith.cmpi eq, %iota3A_2, %eq3A_708 : vector<196x8xi32>
    %jit3A_710 = arith.constant 0xFF800000 : f32
    %broadcast_in_dim3A_711 = vector.broadcast %jit3A_710 : f32 to vector<196x8xf32>
    %select_n3A_712 = arith.select %eq3A_709, %broadcast_in_dim3A_711, %select_n3A_690 : vector<196x8xi1>, vector<196x8xf32>
    %jit3A_713 = arith.constant 0 : i32
    %broadcast_in_dim3A_714 = vector.broadcast %jit3A_713 : i32 to vector<196x8xi32>
    %select_n3A_715 = arith.select %eq3A_709, %get3A_1, %broadcast_in_dim3A_714 : vector<196x8xi1>, vector<196x8xi32>
    %reduce_sum3A_716 = arith.constant dense<0> : vector<196xi32>
    %reduce_sum3A_717 = vector.multi_reduction <add>, %select_n3A_715, %reduce_sum3A_716 [1] : vector<196x8xi32> to vector<196xi32>
    %broadcast_in_dim3A_718 = vector.shape_cast %reduce_sum3A_717 : vector<196xi32> to vector<196x1xi32>
    %reduce_max3A_719 = arith.constant dense<0xFF800000> : vector<196xf32>
    %reduce_max3A_720 = vector.multi_reduction <maximumf>, %select_n3A_712, %reduce_max3A_719 [1] : vector<196x8xf32> to vector<196xf32>
    %broadcast_in_dim3A_721 = vector.shape_cast %reduce_max3A_720 : vector<196xf32> to vector<196x1xf32>
    %eq3A_722 = vector.broadcast %broadcast_in_dim3A_721 : vector<196x1xf32> to vector<196x8xf32>
    %eq3A_723 = arith.cmpf oeq, %select_n3A_712, %eq3A_722 : vector<196x8xf32>
    %jit3A_724 = arith.constant 8 : i32
    %broadcast_in_dim3A_725 = vector.broadcast %jit3A_724 : i32 to vector<196x8xi32>
    %select_n3A_726 = arith.select %eq3A_723, %iota3A_2, %broadcast_in_dim3A_725 : vector<196x8xi1>, vector<196x8xi32>
    %reduce_min3A_727 = arith.constant dense<2147483647> : vector<196xi32>
    %reduce_min3A_728 = vector.multi_reduction <minsi>, %select_n3A_726, %reduce_min3A_727 [1] : vector<196x8xi32> to vector<196xi32>
    %broadcast_in_dim3A_729 = vector.shape_cast %reduce_min3A_728 : vector<196xi32> to vector<196x1xi32>
    %eq3A_730 = vector.broadcast %broadcast_in_dim3A_729 : vector<196x1xi32> to vector<196x8xi32>
    %eq3A_731 = arith.cmpi eq, %iota3A_2, %eq3A_730 : vector<196x8xi32>
    %jit3A_732 = arith.constant 0xFF800000 : f32
    %broadcast_in_dim3A_733 = vector.broadcast %jit3A_732 : f32 to vector<196x8xf32>
    %select_n3A_734 = arith.select %eq3A_731, %broadcast_in_dim3A_733, %select_n3A_712 : vector<196x8xi1>, vector<196x8xf32>
    %jit3A_735 = arith.constant 0 : i32
    %broadcast_in_dim3A_736 = vector.broadcast %jit3A_735 : i32 to vector<196x8xi32>
    %select_n3A_737 = arith.select %eq3A_731, %get3A_1, %broadcast_in_dim3A_736 : vector<196x8xi1>, vector<196x8xi32>
    %reduce_sum3A_738 = arith.constant dense<0> : vector<196xi32>
    %reduce_sum3A_739 = vector.multi_reduction <add>, %select_n3A_737, %reduce_sum3A_738 [1] : vector<196x8xi32> to vector<196xi32>
    %broadcast_in_dim3A_740 = vector.shape_cast %reduce_sum3A_739 : vector<196xi32> to vector<196x1xi32>
    %reduce_max3A_741 = arith.constant dense<0xFF800000> : vector<196xf32>
    %reduce_max3A_742 = vector.multi_reduction <maximumf>, %select_n3A_734, %reduce_max3A_741 [1] : vector<196x8xf32> to vector<196xf32>
    %broadcast_in_dim3A_743 = vector.shape_cast %reduce_max3A_742 : vector<196xf32> to vector<196x1xf32>
    %eq3A_744 = vector.broadcast %broadcast_in_dim3A_743 : vector<196x1xf32> to vector<196x8xf32>
    %eq3A_745 = arith.cmpf oeq, %select_n3A_734, %eq3A_744 : vector<196x8xf32>
    %jit3A_746 = arith.constant 8 : i32
    %broadcast_in_dim3A_747 = vector.broadcast %jit3A_746 : i32 to vector<196x8xi32>
    %select_n3A_748 = arith.select %eq3A_745, %iota3A_2, %broadcast_in_dim3A_747 : vector<196x8xi1>, vector<196x8xi32>
    %reduce_min3A_749 = arith.constant dense<2147483647> : vector<196xi32>
    %reduce_min3A_750 = vector.multi_reduction <minsi>, %select_n3A_748, %reduce_min3A_749 [1] : vector<196x8xi32> to vector<196xi32>
    %broadcast_in_dim3A_751 = vector.shape_cast %reduce_min3A_750 : vector<196xi32> to vector<196x1xi32>
    %eq3A_752 = vector.broadcast %broadcast_in_dim3A_751 : vector<196x1xi32> to vector<196x8xi32>
    %eq3A_753 = arith.cmpi eq, %iota3A_2, %eq3A_752 : vector<196x8xi32>
    %jit3A_754 = arith.constant 0 : i32
    %broadcast_in_dim3A_755 = vector.broadcast %jit3A_754 : i32 to vector<196x8xi32>
    %select_n3A_756 = arith.select %eq3A_753, %get3A_1, %broadcast_in_dim3A_755 : vector<196x8xi1>, vector<196x8xi32>
    %reduce_sum3A_757 = arith.constant dense<0> : vector<196xi32>
    %reduce_sum3A_758 = vector.multi_reduction <add>, %select_n3A_756, %reduce_sum3A_757 [1] : vector<196x8xi32> to vector<196xi32>
    %broadcast_in_dim3A_759 = vector.shape_cast %reduce_sum3A_758 : vector<196xi32> to vector<196x1xi32>
    %concatenate3A_760 = tpu.concatenate %broadcast_in_dim3A_685, %broadcast_in_dim3A_707, %broadcast_in_dim3A_729, %broadcast_in_dim3A_751 in 1 : vector<196x1xi32>, vector<196x1xi32>, vector<196x1xi32>, vector<196x1xi32> -> vector<196x4xi32>
    %swap3A_761 = arith.constant 3 : index
    %swap3A_762 = arith.constant 0 : index
    %swap3A_763 = arith.constant 0 : index
    %swap3A_764 = vector.load %arg3[%swap3A_761, %swap3A_762, %swap3A_763] : memref<4x196x4xi32, #tpu.memory_space<vmem>>, vector<1x196x4xi32>
    %swap3A_765 = vector.shape_cast %swap3A_764 : vector<1x196x4xi32> to vector<196x4xi32>
    %swap3A_766 = vector.shape_cast %concatenate3A_760 : vector<196x4xi32> to vector<1x196x4xi32>
    tpu.vector_store %arg3[%swap3A_761, %swap3A_762, %swap3A_763], %swap3A_766 {strides = array<i32>} : memref<4x196x4xi32, #tpu.memory_space<vmem>>, vector<1x196x4xi32>,
    %concatenate3A_767 = tpu.concatenate %broadcast_in_dim3A_696, %broadcast_in_dim3A_718, %broadcast_in_dim3A_740, %broadcast_in_dim3A_759 in 1 : vector<196x1xi32>, vector<196x1xi32>, vector<196x1xi32>, vector<196x1xi32> -> vector<196x4xi32>
    %mul3A_768 = arith.constant 196 : i32
    %mul3A_769 = arith.muli %add3A_583, %mul3A_768 : i32
    %add3A_770 = vector.broadcast %mul3A_769 : i32 to vector<196x4xi32>
    %add3A_771 = arith.addi %concatenate3A_767, %add3A_770 : vector<196x4xi32>
    %swap3A_772 = arith.constant 3 : index
    %swap3A_773 = arith.constant 0 : index
    %swap3A_774 = arith.constant 0 : index
    %swap3A_775 = vector.load %arg4[%swap3A_772, %swap3A_773, %swap3A_774] : memref<4x196x4xi32, #tpu.memory_space<vmem>>, vector<1x196x4xi32>
    %swap3A_776 = vector.shape_cast %swap3A_775 : vector<1x196x4xi32> to vector<196x4xi32>
    %swap3A_777 = vector.shape_cast %add3A_771 : vector<196x4xi32> to vector<1x196x4xi32>
    tpu.vector_store %arg4[%swap3A_772, %swap3A_773, %swap3A_774], %swap3A_777 {strides = array<i32>} : memref<4x196x4xi32, #tpu.memory_space<vmem>>, vector<1x196x4xi32>,
    return
  }
  func.func @transform_0(%arg0: i32) -> (i32, i32, i32) {
    %c0_i32 = arith.constant 0 : i32
    %c0_i32_0 = arith.constant 0 : i32
    %c0_i32_1 = arith.constant 0 : i32
    return %arg0, %c0_i32, %c0_i32_0 : i32, i32, i32
  }
  func.func @transform_1(%arg0: i32) -> (i32, i32) {
    %c0_i32 = arith.constant 0 : i32
    %c0_i32_0 = arith.constant 0 : i32
    %c0_i32_1 = arith.constant 0 : i32
    return %c0_i32, %c0_i32_0 : i32, i32
  }
  func.func @transform_2(%arg0: i32) -> (i32, i32, i32) {
    %c0_i32 = arith.constant 0 : i32
    %c0_i32_0 = arith.constant 0 : i32
    %c0_i32_1 = arith.constant 0 : i32
    return %arg0, %c0_i32, %c0_i32_0 : i32, i32, i32
  }
  func.func @transform_3(%arg0: i32) -> (i32, i32, i32) {
    %c0_i32 = arith.constant 0 : i32
    %c0_i32_0 = arith.constant 0 : i32
    %c0_i32_1 = arith.constant 0 : i32
    return %arg0, %c0_i32, %c0_i32_0 : i32, i32, i32
  }
}

module attributes {stable_mosaic.version = 14 : i64} {
  func.func @_ilv_body(%arg0: i32, %arg1: memref<1568x768xf32, #tpu.memory_space<vmem>>, %arg2: memref<392x4x768xf32, #tpu.memory_space<vmem>>) attributes {dimension_semantics = [#tpu.dimension_semantics<parallel>], iteration_bounds = array<i64: 32>, scalar_prefetch = 0 : i64, scratch_operands = 0 : i64, tpu.core_type = #tpu.core_type<tc>, window_params = [{transform_indices = @transform_0, window_bounds = array<i64: 1568, 768>}, {transform_indices = @transform_1, window_bounds = array<i64: 392, 4, 768>}]} {
    %get3A = arith.constant 0 : index
    %get3A_0 = arith.constant 0 : index
    %get3A_1 = vector.load %arg1[%get3A, %get3A_0] : memref<1568x768xf32, #tpu.memory_space<vmem>>, vector<1568x768xf32>
    %reshape3A = vector.shape_cast %get3A_1 : vector<1568x768xf32> to vector<392x4x768xf32>
    %swap3A = arith.constant 0 : index
    %swap3A_2 = arith.constant 0 : index
    %swap3A_3 = arith.constant 0 : index
    %swap3A_4 = vector.load %arg2[%swap3A, %swap3A_2, %swap3A_3] : memref<392x4x768xf32, #tpu.memory_space<vmem>>, vector<392x4x768xf32>
    tpu.vector_store %arg2[%swap3A, %swap3A_2, %swap3A_3], %reshape3A {strides = array<i32>} : memref<392x4x768xf32, #tpu.memory_space<vmem>>, vector<392x4x768xf32>,
    return
  }
  func.func @transform_0(%arg0: i32) -> (i32, i32) {
    %c0_i32 = arith.constant 0 : i32
    %c0_i32_0 = arith.constant 0 : i32
    return %arg0, %c0_i32 : i32, i32
  }
  func.func @transform_1(%arg0: i32) -> (i32, i32, i32) {
    %c0_i32 = arith.constant 0 : i32
    %c0_i32_0 = arith.constant 0 : i32
    %c0_i32_1 = arith.constant 0 : i32
    return %arg0, %c0_i32, %c0_i32_0 : i32, i32, i32
  }
}

</mosaic_0001>

<sc_bundles>
// kernel: kernel.5.cloned.1.call-start
scs
__scs_entry_jumppad:
0x0: {  	(pc) =	sbr.rel $0x88, $3  }
0x1: {  	(tag) =	ssettag $0x0;
	lr =	simm.s32 $0x1  }
0x2: {  	[smem:$0x3FA0] =	sst lr;
	_ =	strace $0xD0000000  }
0x3: {  	_ = 	snop  }
0x4: {  	_ = 	snop  }
0x5: {  	_ = 	snop  }
0x6: {  	_ = 	snop  }
0x7: {  	_ = 	snop  }
__scs_overlays_trampoline_lowered:
0x8: {  	[smem:$0x3FAF] =	sst s0  }
0x9: {  	[smem:$0x3FB0] =	sst s1  }
0xa: {  	[smem:$0x3FB1] =	sst s2  }
0xb: {  	[smem:$0x3FB2] =	sst s3  }
0xc: {  	[smem:$0x3FB3] =	sst s4  }
0xd: {  	[smem:$0x3FB4] =	sst s5  }
0xe: {  	[smem:$0x3FB5] =	sst s6  }
0xf: {  	[smem:$0x3FB6] =	sst s7  }
0x10: {  	[smem:$0x3FB7] =	sst s8  }
0x11: {  	[smem:$0x3FB8] =	sst s9;
	s0 =	simm.s32 @!p0 $0x0  }
0x12: {  	s1 =	sld [smem:$0x3F9E];
	s0 =	simm.s32 @p0 $0x1  }
0x13: {  	[smem:$0x3FB9] =	sst s0;
	s0 =	simm.s32 @!p1 $0x0  }
0x14: {  	s2 =	sld [smem:$0x3F9D];
	s0 =	simm.s32 @p1 $0x1  }
0x15: {  	[smem:$0x3FBA] =	sst s0;
	s0 =	simm.s32 @!p2 $0x0  }
0x16: {  	s3 =	sld [smem:$0x3FDB];
	s0 =	simm.s32 @p2 $0x1  }
0x17: {  	s4 =	simm.s32 $0x1BF5;
	[smem:$0x3FBC] =	sst s0  }
0x18: {  	s0 =	sld [smem:$0x3F9F];
	_ =	swait.ge [sflag:s4], $0x0  }
0x19: {  	s7 =	sld [smem:$0x3FA0]  }
0x1a: {  	s8 =	sadd.s32 $0xFFFFE003, lr  }
0x1b: {  	s9 =	sadd.s32 $0xFFFFFEF7, lr;
	s5 =	simm.s32 $0xFFFFFFFF;
	p2 =	slt.u32 s8, $0xFFFFF086  }
0x1c: {  	p1 =	slt.u32 s9, $0xF7A;
	s5 =	simm.s32 @!p2 $0x0  }
0x1d: {  	s5 =	simm.s32 @p1 $0x1;
	p0 =	seq.s32 s7, s2  }
0x1e: {  	s7 =	smul.u32 @!p0 $0xF7A, s2;
	p2 =	seq.s32 @!p0 s5, $0x0  }
0x1f: {  	s9 =	smul.u32 $0xF7A, s1;
	s8 =	simm.s32 @!p0 $0x1BF5;
	p2 =	por !p2, p0  }
0x20: {  	[sflag:s8] =	ssyncset.s32 @!p0 $0xFFFFF086;
	s6 =	sadd.s32 @!p0 s3, s7;
	s7 =	simm.s32 @!p0 $0x108  }
0x21: {  	s3 =	sadd.s32 s3, s9;
	s6 =	sadd.s32 @!p0 $0x88, s6;
	s7 =	simm.s32 @p2 $0x1082  }
0x22: {  	[simem:s7], [sflag:s8] =	dma.local @!p0 [hbm:s6], $0xF7A  }
0x23: {  	s9 =	sor.u32 $0xD0000000, s2;
	s6 =	simm.s32 $0x108;
	_ =	swait.ge @!p0 [sflag:s8], $0x0  }
0x24: {  	s3 =	sadd.s32 $0x88, s3;
	s6 =	simm.s32 @!p1 $0x1082;
	[sflag:s4] =	ssyncset.s32 $0xFFFFF086  }
0x25: {  	[simem:s6], [sflag:s4] =	dma.local [hbm:s3], $0xF7A  }
0x26: {  	[smem:$0x3FA0] =	sst s1;
	(tag) =	ssettag s2;
	_ =	strace s9  }
0x27: {  	s1 =	sld [smem:$0x3FB0]  }
0x28: {  	s2 =	sld [smem:$0x3FB1]  }
0x29: {  	s4 =	sld [smem:$0x3FB3]  }
0x2a: {  	p0 =	seq.s32 s5, $0x0;
	s5 =	sld [smem:$0x3FB4]  }
0x2b: {  	s6 =	sld [smem:$0x3FB5]  }
0x2c: {  	s7 =	sld [smem:$0x3FB6]  }
0x2d: {  	s3 =	simm.s32 $0x108;
	s8 =	sld [smem:$0x3FB7]  }
0x2e: {  	s3 =	simm.s32 @!p0 $0x1082;
	s9 =	sld [smem:$0x3FB8]  }
0x2f: {  	lr =	sadd.s32 s0, s3;
	s0 =	sld [smem:$0x3FAF]  }
0x30: {  	s3 =	sld [smem:$0x3FB2]  }
0x31: {  	[smem:$0x3FBB] =	sst s10  }
0x32: {  	s10 =	sld [smem:$0x3FB9];
	_ =	sdelay $0x3  }
0x33: {  	p0 =	seq.s32 s10, $0x1;
	s10 =	sld [smem:$0x3FBB];
	_ =	sdelay $0x3  }
0x34: {  	[smem:$0x3FBB] =	sst s10  }
0x35: {  	s10 =	sld [smem:$0x3FBA];
	_ =	sdelay $0x3  }
0x36: {  	p1 =	seq.s32 s10, $0x1;
	s10 =	sld [smem:$0x3FBB];
	_ =	sdelay $0x3  }
0x37: {  	[smem:$0x3FBB] =	sst s10  }
0x38: {  	s10 =	sld [smem:$0x3FBC]  }
0x39: {  	_ = 	snop;
	(pc) =	sbr.ind lr, $3  }
0x3a: {  	_ = 	snop  }
0x3b: {  	_ = 	snop  }
0x3c: {  	p2 =	seq.s32 s10, $0x1;
	s10 =	sld [smem:$0x3FBB]  }
0x3d: {  	_ =	shalt  }
0x3e: {  	_ =	shalt  }
0x3f: {  	_ =	shalt  }
0x40: {  	_ =	shalt  }
0x41: {  	_ =	shalt  }
0x42: {  	_ =	shalt  }
0x43: {  	_ =	shalt  }
0x44: {  	_ =	shalt  }
0x45: {  	_ =	shalt  }
0x46: {  	_ =	shalt  }
0x47: {  	_ =	shalt  }
0x48: {  	_ =	shalt  }
0x49: {  	_ =	shalt  }
0x4a: {  	_ =	shalt  }
0x4b: {  	_ =	shalt  }
0x4c: {  	_ =	shalt  }
0x4d: {  	_ =	shalt  }
0x4e: {  	_ =	shalt  }
0x4f: {  	_ =	shalt  }
0x50: {  	_ =	shalt  }
0x51: {  	_ =	shalt  }
0x52: {  	_ =	shalt  }
0x53: {  	_ =	shalt  }
0x54: {  	_ =	shalt  }
0x55: {  	_ =	shalt  }
0x56: {  	_ =	shalt  }
0x57: {  	_ =	shalt  }
0x58: {  	_ =	shalt  }
0x59: {  	_ =	shalt  }
0x5a: {  	_ =	shalt  }
0x5b: {  	_ =	shalt  }
0x5c: {  	_ =	shalt  }
0x5d: {  	_ =	shalt  }
0x5e: {  	_ =	shalt  }
0x5f: {  	_ =	shalt  }
0x60: {  	_ =	shalt  }
0x61: {  	_ =	shalt  }
0x62: {  	_ =	shalt  }
0x63: {  	_ =	shalt  }
0x64: {  	_ =	shalt  }
0x65: {  	_ =	shalt  }
0x66: {  	_ =	shalt  }
0x67: {  	_ =	shalt  }
0x68: {  	_ =	shalt  }
0x69: {  	_ =	shalt  }
0x6a: {  	_ =	shalt  }
0x6b: {  	_ =	shalt  }
0x6c: {  	_ =	shalt  }
0x6d: {  	_ =	shalt  }
0x6e: {  	_ =	shalt  }
0x6f: {  	_ =	shalt  }
0x70: {  	_ =	shalt  }
0x71: {  	_ =	shalt  }
0x72: {  	_ =	shalt  }
0x73: {  	_ =	shalt  }
0x74: {  	_ =	shalt  }
0x75: {  	_ =	shalt  }
0x76: {  	_ =	shalt  }
0x77: {  	_ =	shalt  }
0x78: {  	_ =	shalt  }
0x79: {  	_ =	shalt  }
0x7a: {  	_ =	shalt  }
0x7b: {  	_ =	shalt  }
0x7c: {  	_ =	shalt  }
0x7d: {  	_ =	shalt  }
0x7e: {  	_ =	shalt  }
0x7f: {  	_ =	shalt  }
0x80: {  	_ =	shalt  }
0x81: {  	_ =	shalt  }
0x82: {  	_ =	shalt  }
0x83: {  	_ =	shalt  }
0x84: {  	_ =	shalt  }
0x85: {  	_ =	shalt  }
0x86: {  	_ =	shalt  }
0x87: {  	_ =	shalt  }
.Lfunc_end0:
.L_simem_size_0:
called_computation_lowered:
.L_overlay_start_0:
0x88: {  	s2 =	sld [smem:$0x3FD9]  }
0x89: {  	s3 =	sld [smem:$0x3FFE];
	_ =	sdelay $0x1  }
0x8a: {  	s1 =	srdreg.scid  }
0x8b: {  	s0 =	sand.u32 $0x1, s1  }
0x8c: {  	s16 =	sshll.u32 s0, $0xA;
	s2 =	sadd.s32 s3, s2  }
0x8d: {  	s2 =	sadd.s32 s2, s16  }
0x8e: {  	[smem:$0x3FC7] =	sst s2  }
0x8f: {  	_ = 	snop  }
0x90: {  	(tm) =	ssettm $0x1  }
0x91: {  	s17 =	sld [smem:$0x3FFB];
	_ =	sdelay $0x3  }
0x92: {  	_ =	strace s17  }
0x93: {  	s2 =	sld [smem:$0x3FFC];
	_ =	sdelay $0x3  }
0x94: {  	_ =	strace s2  }
0x95: {  	s2 =	sld [smem:$0x3FFD];
	_ =	sdelay $0x3  }
0x96: {  	_ =	strace s2  }
0x97: {  	_ =	strace $0x8FFFFFFF  }
0x98: {  	s18 =	sld [smem:$0x3FDB];
	_ =	sdelay $0x1  }
0x99: {  	s19 =	simm.s32 $_scs_section_size  }
0x9a: {  	s4 =	simm.s32 $_size__tile_overlayer_lowered;
	s5 =	simm.s32 $_tile_overlayer_lowered  }
0x9b: {  	s22 =	simm.s32 $0x1BFF;
	s21 =	sshll.u32 s5, $0x1;
	s2 =	sadd.s32 s19, s18  }
0x9c: {  	s6 =	simm.s32 $0x0;
	s20 =	sshll.u32 s4, $0x1;
	s4 =	sadd.s32 s21, s2  }
0x9d: {  	[timem:s6], [sflag:s22] =	dma.local [hbm:s4], s20  }
0x9e: {  	_ =	swait.ge [sflag:s22], s20  }
0x9f: {  	s3 =	ssub.s32 $0x0, s20;
	[sflag:s22] =	ssyncset.done $0x0  }
0xa0: {  	[sflag:s22] =	ssyncadd.s32 s3;
	_ =	sdelay $0x1  }
0xa1: {  	s23 =	simm.s32 $0x1B8B  }
0xa2: {  	_ =	swait.ge [sflag:s23], $0x1  }
0xa3: {  	[sflag:s23] =	ssyncset.done $0x0  }
0xa4: {  	s25 =	simm.s32 $0x1B8E;
	s24 =	sld [smem:$0x3FFE];
	[sflag:s23] =	ssyncadd.s32 $0xFFFFFFFF  }
0xa5: {  	s26 =	simm.s32 $execute0_lowered;
	[smem:$0x3FD2] =	sst s25  }
0xa6: {  	s4 =	sshll.u32 s26, $0x1;
	_ =	strace $0x80000046;
	[dreg:$0x1] =	wrdreg $0xFFFFFFFF  }
0xa7: {  	s28 =	simm.s32 $_size_execute0_lowered;
	s2 =	sadd.s32 s2, s4;
	[dreg:$0x0] =	wrdreg $0x0  }
0xa8: {  	s4 =	sshll.u32 s28, $0x1;
	[dreg:$0x2] =	wrdreg s2  }
0xa9: {  	[dreg:$0x3] =	wrdreg s4  }
0xaa: {  	[dreg:$0x4] =	wrdreg $0xC0  }
0xab: {  	_ =	task [dreg:s6], $0x5FFFF  }
0xac: {  	[dreg:$0x1] =	wrdreg $0xFFFFFFFF  }
0xad: {  	[dreg:$0x0] =	wrdreg $0x60  }
0xae: {  	[dreg:$0x2] =	wrdreg s24  }
0xaf: {  	[dreg:$0x3] =	wrdreg $0x9  }
0xb0: {  	_ =	task.clear_ibuf [dreg:s6], $0x4FFFF;
	_ =	strace $0x90000046  }
0xb1: {  	s29 =	simm.s32 $0x9;
	_ =	strace $0x80000048  }
0xb2: {  	_ =	swait.ge [sflag:s29], $0x1  }
0xb3: {  	[sflag:s29] =	ssyncadd.s32 $0xFFFFFFFF  }
0xb4: {  	_ =	strace $0x90000048  }
0xb5: {  	_ =	sfence  }
0xb6: {  	s30 =	sld [smem:$0x0];
	_ =	sdelay $0x2  }
0xb7: {  	s31 =	sshll.u32 s1, $0xD;
	s1 =	sshrl.u32 s1, $0x2  }
0xb8: {  	s3 =	sand.u32 $0x4000, s31;
	s1 =	sadd.s32 s1, s30  }
0xb9: {  	s0 =	sor.u32 s3, s0;
	s1 =	sshll.u32 s1, $0x11  }
0xba: {  	s0 =	sor.u32 s1, s0  }
0xbb: {  	s0 =	sadd.s32 $0x8F2B, s0  }
0xbc: {  	[sflag:s0] =	ssyncadd.remote.s32 $0x1  }
0xbd: {  	_ =	sfence.sel $0xFFFF  }
0xbe: {  	[dreg:$0x0] =	wrdreg $0xFFFFFFFF;
	(pc) =	sbr.abs _section_cstart, $3  }
0xbf: {  	[dreg:$0x1] =	wrdreg $0xFFFFFFFF  }
0xc0: {  	_ =	task.clear_ibuf [dreg:s6], $0x2FFFF;
	_ =	strace $0x9FFFFFFF  }
0xc1: {  	(tm) =	ssettm $0x7FFFFFFF  }
tec
execute0_lowered:
.L_overlay_start_1:
0x0: {  	(tag) =	ssettag $0x1  }
0x1: {  	s0 =	srdreg.scid  }
0x2: {  	s3 =	stileid.u32;
	s4 =	rddreg [dreg:$0x0]  }
0x3: {  	s2 =	simm.s32 $0x0;
	s24 =	simm.s32 $0xE400;
	s25 =	simm.s32 $0xEC00  }
0x4: {  	s26 =	simm.s32 $0xF400;
	s11 =	simm.s32 $0x11400;
	s12 =	simm.s32 $0x11C00  }
0x5: {  	s13 =	simm.s32 $0x12400;
	s14 =	simm.s32 $0x12C00;
	s15 =	simm.s32 $0x13400  }
0x6: {  	s16 =	simm.s32 $0x14400;
	s17 =	simm.s32 $0x14C00;
	[smem:$0x7FF] =	sst s2  }
0x7: {  	s18 =	simm.s32 $0x15400;
	_ =	strace $0x80000047;
	[dreg:$0x6] =	wrdreg s24  }
0x8: {  	s28 =	simm.s32 $0x2;
	s29 =	simm.s32 $0x5;
	[dreg:$0x7] =	wrdreg s25  }
0x9: {  	s30 =	simm.s32 $0x3;
	s31 =	simm.s32 $0x4;
	[dreg:$0x8] =	wrdreg s26  }
0xa: {  	s0 =	sand.u32 $0x1, s0;
	s1 =	sshll.u32 s3, $0x1;
	[dreg:$0xc] =	wrdreg s11  }
0xb: {  	s6 =	smul.u32 $0xC40, s3;
	s3 =	sadd.s32 $0xA00, s4;
	[dreg:$0xd] =	wrdreg s12  }
0xc: {  	s19 =	sadd.s32 $0x12DA00, s4;
	s1 =	sor.u32 s0, s1;
	[dreg:$0xe] =	wrdreg s13  }
0xd: {  	s7 =	smul.u32 $0x620, s0;
	s0 =	ssub.s32 $0x2, s0;
	[dreg:$0xf] =	wrdreg s14  }
0xe: {  	s11 =	simm.s32 $0x2400;
	s12 =	simm.s32 $0x2C00;
	[dreg:$0x10] =	wrdreg s15  }
0xf: {  	s13 =	simm.s32 $0x3400;
	s14 =	simm.s32 $0x3C00;
	[dreg:$0x11] =	wrdreg s16  }
0x10: {  	s15 =	simm.s32 $0x4400;
	s16 =	simm.s32 $0x4C00;
	[dreg:$0x12] =	wrdreg s17  }
0x11: {  	s17 =	simm.s32 $0x5400;
	[dreg:$0x13] =	wrdreg s18;
	s24 =	simm.s32 $0x18400  }
0x12: {  	s18 =	simm.s32 $0x5C00;
	s25 =	simm.s32 $0x18C00;
	[dreg:$0x19] =	wrdreg s24  }
0x13: {  	s26 =	simm.s32 $0x19400;
	s5 =	smul.u32 $0x380, s1;
	[dreg:$0x1a] =	wrdreg s25  }
0x14: {  	s8 =	sshrl.u32 s0, $0x1;
	s1 =	smul.u32 $0x620, s1;
	[dreg:$0x1b] =	wrdreg s26  }
0x15: {  	s24 =	simm.s32 $0xDC00;
	s25 =	simm.s32 $0x1;
	s26 =	simm.s32 $0x13C00  }
0x16: {  	s6 =	sadd.s32 s7, s6;
	s0 =	ssub.s32 s0, s8;
	s5 =	sadd.s32 s5, s4  }
0x17: {  	s9 =	sadd.s32 $0x20, s6;
	s21 =	sshrl.u32 s6, $0x3;
	s10 =	sadd.s32 $0x60, s6  }
0x18: {  	s6 =	sadd.s32 $0x40, s6;
	s1 =	sshrl.u32 s1, $0x3;
	s0 =	smax.u32 s0, $0x1  }
0x19: {  	s20 =	sshrl.u32 s9, $0x3;
	s9 =	smul.u32 $0x300, s21;
	s10 =	sshrl.u32 s10, $0x3  }
0x1a: {  	s6 =	sshrl.u32 s6, $0x3;
	s5 =	sadd.s32 $0x126A00, s5;
	[dreg:$0x1e] =	wrdreg s0  }
0x1b: {  	s1 =	smul.u32 $0x300, s1;
	s21 =	simm.s32 $0x16C00;
	[dreg:$0x1c] =	wrdreg s5  }
0x1c: {  	s8 =	smul.u32 $0x300, s20;
	s20 =	simm.s32 $0x16400;
	[dreg:$0x16] =	wrdreg s21  }
0x1d: {  	s0 =	simm.s32 $0x7;
	s22 =	sadd.s32 s9, s19;
	[dreg:$0x15] =	wrdreg s20  }
0x1e: {  	s10 =	smul.u32 $0x300, s10;
	s9 =	simm.s32 $0x10400;
	[dreg:$0x3] =	wrdreg s22  }
0x1f: {  	s6 =	smul.u32 $0x300, s6;
	s8 =	sadd.s32 s8, s19;
	[dreg:$0xa] =	wrdreg s9  }
0x20: {  	s5 =	sadd.s32 $0xB00, s4;
	s23 =	sadd.s32 s10, s19;
	[dreg:$0x2] =	wrdreg s8  }
0x21: {  	s1 =	sadd.s32 s19, s1;
	s6 =	sadd.s32 s6, s19;
	[dreg:$0x4] =	wrdreg s23  }
0x22: {  	s21 =	simm.s32 $0x7400;
	s1 =	sadd.s32 $0x24000, s1;
	[dreg:$0x5] =	wrdreg s6  }
0x23: {  	s20 =	simm.s32 $0x6C00;
	s10 =	simm.s32 $0x10C00;
	[dreg:$0x1d] =	wrdreg s1  }
0x24: {  	s19 =	simm.s32 $0x15C00;
	s22 =	simm.s32 $0x17400;
	[dreg:$0xb] =	wrdreg s10  }
0x25: {  	s6 =	sadd.s32 $0xC00, s4;
	s8 =	simm.s32 $0xFC00;
	[dreg:$0x14] =	wrdreg s19  }
0x26: {  	v2 =	vlaneseq.u32;
	s10 =	simm.s32 $0x1C00;
	s19 =	simm.s32 $0x6400;
	[dreg:$0x17] =	wrdreg s22  }
0x27: {  	vm0 =	vmmov $0xffff;
	v1 =	vshrl.u32 v2, $0x3;
	s23 =	simm.s32 $0x17C00;
	s22 =	simm.s32 $0x7C00;
	[dreg:$0x9] =	wrdreg s8  }
0x28: {  	v0 =	vand.u32 $0x7, v2;
	v2 =	vor.u32 $0x8, v2;
	v1 =	vmul.u32 $0x8, v1;
	s4 =	simm.s32 $0x0;
	[dreg:$0x18] =	wrdreg s23;
	s23 =	simm.s32 $0x8  }
.LBB2_1:
0x29: {  	s1 =	rddreg [dreg:$0x1c];
	s7 =	simm.s32 $0x9  }
0x2a: {  	[tilespmem:s2], [sflag:$0x9] =	stream.linear.gather [hbm4b:s1+s2], $0x1880, $0x38;
	[tilespmem:$0x19C00] =	vst v63  }
0x2b: {  	_ =	swait.ge [sflag:s7], $0x1880  }
0x2c: {  	[sflag:s7] =	ssyncset.done $0x0  }
0x2d: {  	[sflag:s7] =	ssyncadd.s32 $0xFFFFE780  }
0x2e: {  	v3 =	vld [tilespmem:$0x0];
	_ =	sdelay $0x4  }
0x2f: {  	v4 =	vshrl.u32 v3, $0x3  }
0x30: {  	v4 =	vmul.u32 $0x30, v4  }
0x31: {  	v3 =	vand.u32 $0x7, v3  }
0x32: {  	v3 =	vor.u32 v3, v4  }
0x33: {  	v4 =	vperm.xlane v3, v0;
	_ =	sdelay $0x1  }
0x34: {  	v4 =	vadd.s32 v1, v4;
	_ =	sdelay $0x3  }
0x35: {  	v3 =	vperm.xlane v3, v2  }
0x36: {  	[tilespmem:s10], [sflag:$0x1] =	stream.indirect_vreg.gather [hbm4b:s3+s2], $0x80, v4, vm0, $0xb8;
	[tilespmem:$0x19C00] =	vst v63  }
0x37: {  	v3 =	vadd.s32 v1, v3  }
0x38: {  	[tilespmem:s11], [sflag:$0x1] =	stream.indirect_vreg.gather [hbm4b:s5+s2], $0x80, v4, vm0, $0xb8;
	[tilespmem:$0x19C00] =	vst v63  }
0x39: {  	_ = 	snop  }
0x3a: {  	[tilespmem:s12], [sflag:$0x1] =	stream.indirect_vreg.gather [hbm4b:s6+s2], $0x80, v4, vm0, $0xb8;
	[tilespmem:$0x19C00] =	vst v63  }
0x3b: {  	_ = 	snop  }
0x3c: {  	[tilespmem:s13], [sflag:$0x1] =	stream.indirect_vreg.gather [hbm4b:s3+s2], $0x80, v3, vm0, $0xb8;
	[tilespmem:$0x19C00] =	vst v63  }
0x3d: {  	_ = 	snop  }
0x3e: {  	[tilespmem:s14], [sflag:$0x1] =	stream.indirect_vreg.gather [hbm4b:s5+s2], $0x80, v3, vm0, $0xb8;
	[tilespmem:$0x19C00] =	vst v63  }
0x3f: {  	_ = 	snop  }
0x40: {  	[tilespmem:s15], [sflag:$0x1] =	stream.indirect_vreg.gather [hbm4b:s6+s2], $0x80, v3, vm0, $0xb8;
	[tilespmem:$0x19C00] =	vst v63  }
0x41: {  	v3 =	vld [tilespmem:$0x10];
	_ =	sdelay $0x4  }
0x42: {  	v61 =	vshrl.u32 v3, $0x3  }
0x43: {  	v4 =	vmul.u32 $0x30, v61  }
0x44: {  	v3 =	vand.u32 $0x7, v3  }
0x45: {  	v3 =	vor.u32 v3, v4  }
0x46: {  	v4 =	vperm.xlane v3, v0;
	_ =	sdelay $0x1  }
0x47: {  	v4 =	vadd.s32 v1, v4;
	_ =	sdelay $0x3  }
0x48: {  	v3 =	vperm.xlane v3, v2  }
0x49: {  	[tilespmem:s16], [sflag:$0x1] =	stream.indirect_vreg.gather [hbm4b:s3+s2], $0x80, v4, vm0, $0xb8;
	[tilespmem:$0x19C00] =	vst v63  }
0x4a: {  	v3 =	vadd.s32 v1, v3  }
0x4b: {  	[tilespmem:s17], [sflag:$0x1] =	stream.indirect_vreg.gather [hbm4b:s5+s2], $0x80, v4, vm0, $0xb8;
	[tilespmem:$0x19C00] =	vst v63  }
0x4c: {  	_ = 	snop  }
0x4d: {  	[tilespmem:s18], [sflag:$0x1] =	stream.indirect_vreg.gather [hbm4b:s6+s2], $0x80, v4, vm0, $0xb8;
	[tilespmem:$0x19C00] =	vst v63  }
0x4e: {  	_ = 	snop  }
0x4f: {  	[tilespmem:s19], [sflag:$0x1] =	stream.indirect_vreg.gather [hbm4b:s3+s2], $0x80, v3, vm0, $0xb8;
	[tilespmem:$0x19C00] =	vst v63  }
0x50: {  	_ = 	snop  }
0x51: {  	[tilespmem:s20], [sflag:$0x1] =	stream.indirect_vreg.gather [hbm4b:s5+s2], $0x80, v3, vm0, $0xb8;
	[tilespmem:$0x19C00] =	vst v63  }
0x52: {  	_ = 	snop  }
0x53: {  	[tilespmem:s21], [sflag:$0x1] =	stream.indirect_vreg.gather [hbm4b:s6+s2], $0x80, v3, vm0, $0xb8;
	[tilespmem:$0x19C00] =	vst v63  }
0x54: {  	v3 =	vld [tilespmem:$0x80];
	_ =	sdelay $0x4  }
0x55: {  	v62 =	vshrl.u32 v3, $0x3  }
0x56: {  	v4 =	vmul.u32 $0x30, v62  }
0x57: {  	v3 =	vand.u32 $0x7, v3  }
0x58: {  	v3 =	vor.u32 v3, v4  }
0x59: {  	v4 =	vperm.xlane v3, v0;
	_ =	sdelay $0x1  }
0x5a: {  	v4 =	vadd.s32 v1, v4;
	_ =	sdelay $0x3  }
0x5b: {  	v3 =	vperm.xlane v3, v2  }
0x5c: {  	[tilespmem:s22], [sflag:$0x2] =	stream.indirect_vreg.gather [hbm4b:s3+s2], $0x80, v4, vm0, $0xb8;
	[tilespmem:$0x19C00] =	vst v63  }
0x5d: {  	s8 =	simm.s32 $0x8400;
	v3 =	vadd.s32 v1, v3  }
0x5e: {  	[tilespmem:s8], [sflag:$0x2] =	stream.indirect_vreg.gather [hbm4b:s5+s2], $0x80, v4, vm0, $0xb8;
	[tilespmem:$0x19C00] =	vst v63  }
0x5f: {  	s9 =	simm.s32 $0x8C00  }
0x60: {  	[tilespmem:s9], [sflag:$0x2] =	stream.indirect_vreg.gather [hbm4b:s6+s2], $0x80, v4, vm0, $0xb8;
	[tilespmem:$0x19C00] =	vst v63  }
0x61: {  	s7 =	simm.s32 $0x9400  }
0x62: {  	[tilespmem:s7], [sflag:$0x2] =	stream.indirect_vreg.gather [hbm4b:s3+s2], $0x80, v3, vm0, $0xb8;
	[tilespmem:$0x19C00] =	vst v63  }
0x63: {  	s8 =	simm.s32 $0x9C00  }
0x64: {  	[tilespmem:s8], [sflag:$0x2] =	stream.indirect_vreg.gather [hbm4b:s5+s2], $0x80, v3, vm0, $0xb8;
	[tilespmem:$0x19C00] =	vst v63  }
0x65: {  	s9 =	simm.s32 $0xA400  }
0x66: {  	[tilespmem:s9], [sflag:$0x2] =	stream.indirect_vreg.gather [hbm4b:s6+s2], $0x80, v3, vm0, $0xb8;
	[tilespmem:$0x19C00] =	vst v63  }
0x67: {  	v3 =	vld [tilespmem:$0x90];
	_ =	sdelay $0x4  }
0x68: {  	v63 =	vshrl.u32 v3, $0x3  }
0x69: {  	v4 =	vmul.u32 $0x30, v63  }
0x6a: {  	v3 =	vand.u32 $0x7, v3  }
0x6b: {  	v3 =	vor.u32 v3, v4  }
0x6c: {  	v4 =	vperm.xlane v3, v0;
	_ =	sdelay $0x1  }
0x6d: {  	v4 =	vadd.s32 v1, v4;
	_ =	sdelay $0x3  }
0x6e: {  	s7 =	simm.s32 $0xAC00;
	v3 =	vperm.xlane v3, v2  }
0x6f: {  	[tilespmem:s7], [sflag:$0x2] =	stream.indirect_vreg.gather [hbm4b:s3+s2], $0x80, v4, vm0, $0xb8;
	[tilespmem:$0x19C00] =	vst v63  }
0x70: {  	s8 =	simm.s32 $0xB400;
	v3 =	vadd.s32 v1, v3  }
0x71: {  	[tilespmem:s8], [sflag:$0x2] =	stream.indirect_vreg.gather [hbm4b:s5+s2], $0x80, v4, vm0, $0xb8;
	[tilespmem:$0x19C00] =	vst v63  }
0x72: {  	s9 =	simm.s32 $0xBC00  }
0x73: {  	[tilespmem:s9], [sflag:$0x2] =	stream.indirect_vreg.gather [hbm4b:s6+s2], $0x80, v4, vm0, $0xb8;
	[tilespmem:$0x19C00] =	vst v63  }
0x74: {  	s7 =	simm.s32 $0xC400  }
0x75: {  	[tilespmem:s7], [sflag:$0x2] =	stream.indirect_vreg.gather [hbm4b:s3+s2], $0x80, v3, vm0, $0xb8;
	[tilespmem:$0x19C00] =	vst v63  }
0x76: {  	s8 =	simm.s32 $0xCC00  }
0x77: {  	[tilespmem:s8], [sflag:$0x2] =	stream.indirect_vreg.gather [hbm4b:s5+s2], $0x80, v3, vm0, $0xb8;
	[tilespmem:$0x19C00] =	vst v63  }
0x78: {  	s9 =	simm.s32 $0xD400;
	s7 =	simm.s32 $0x180;
	s8 =	simm.s32 $0x0  }
0x79: {  	[tilespmem:s9], [sflag:$0x2] =	stream.indirect_vreg.gather [hbm4b:s6+s2], $0x80, v3, vm0, $0xb8;
	[tilespmem:$0x19C00] =	vst v63  }
.LBB2_2:
0x7a: {  	p0 =	seq.s32 s8, $0x0  }
0x7b: {  	s9 =	simm.s32 @!p0 $0x7  }
0x7c: {  	_ =	swait.ge @!p0 [sflag:s9], $0x6000  }
0x7d: {  	[sflag:s9] =	ssyncset.done @!p0 $0x0  }
0x7e: {  	[sflag:s9] =	ssyncadd.s32 @!p0 $0xFFFFA000  }
0x7f: {  	v3 =	vld [tilespmem:s7+$0xFFFFFF80];
	_ =	sdelay $0x4  }
0x80: {  	v4 =	vshrl.u32 v3, $0x3  }
0x81: {  	v4 =	vmul.u32 $0x30, v4  }
0x82: {  	v3 =	vand.u32 $0x7, v3  }
0x83: {  	v3 =	vor.u32 v3, v4  }
0x84: {  	v4 =	vperm.xlane v3, v0;
	_ =	sdelay $0x1  }
0x85: {  	v4 =	vadd.s32 v1, v4;
	_ =	sdelay $0x3  }
0x86: {  	v3 =	vperm.xlane v3, v2  }
0x87: {  	[tilespmem:s24], [sflag:$0x3] =	stream.indirect_vreg.gather [hbm4b:s3+s2], $0x80, v4, vm0, $0xb8;
	[tilespmem:$0x19C00] =	vst v63  }
0x88: {  	s9 =	rddreg [dreg:$0x6];
	v3 =	vadd.s32 v1, v3  }
0x89: {  	[tilespmem:s9], [sflag:$0x3] =	stream.indirect_vreg.gather [hbm4b:s5+s2], $0x80, v4, vm0, $0xb8;
	[tilespmem:$0x19C00] =	vst v63  }
0x8a: {  	s1 =	rddreg [dreg:$0x7]  }
0x8b: {  	[tilespmem:s1], [sflag:$0x3] =	stream.indirect_vreg.gather [hbm4b:s6+s2], $0x80, v4, vm0, $0xb8;
	[tilespmem:$0x19C00] =	vst v63  }
0x8c: {  	s9 =	rddreg [dreg:$0x8]  }
0x8d: {  	[tilespmem:s9], [sflag:$0x3] =	stream.indirect_vreg.gather [hbm4b:s3+s2], $0x80, v3, vm0, $0xb8;
	[tilespmem:$0x19C00] =	vst v63  }
0x8e: {  	s1 =	rddreg [dreg:$0x9]  }
0x8f: {  	[tilespmem:s1], [sflag:$0x3] =	stream.indirect_vreg.gather [hbm4b:s5+s2], $0x80, v3, vm0, $0xb8;
	[tilespmem:$0x19C00] =	vst v63  }
0x90: {  	s9 =	rddreg [dreg:$0xa]  }
0x91: {  	[tilespmem:s9], [sflag:$0x3] =	stream.indirect_vreg.gather [hbm4b:s6+s2], $0x80, v3, vm0, $0xb8;
	[tilespmem:$0x19C00] =	vst v63  }
0x92: {  	v3 =	vld [tilespmem:s7+$0xFFFFFF90];
	_ =	sdelay $0x4  }
0x93: {  	v59 =	vshrl.u32 v3, $0x3  }
0x94: {  	v4 =	vmul.u32 $0x30, v59  }
0x95: {  	v3 =	vand.u32 $0x7, v3  }
0x96: {  	v3 =	vor.u32 v3, v4  }
0x97: {  	v4 =	vperm.xlane v3, v0;
	_ =	sdelay $0x1  }
0x98: {  	v4 =	vadd.s32 v1, v4;
	_ =	sdelay $0x3  }
0x99: {  	s1 =	rddreg [dreg:$0xb];
	v3 =	vperm.xlane v3, v2  }
0x9a: {  	[tilespmem:s1], [sflag:$0x3] =	stream.indirect_vreg.gather [hbm4b:s3+s2], $0x80, v4, vm0, $0xb8;
	[tilespmem:$0x19C00] =	vst v63  }
0x9b: {  	s9 =	rddreg [dreg:$0xc];
	v3 =	vadd.s32 v1, v3  }
0x9c: {  	[tilespmem:s9], [sflag:$0x3] =	stream.indirect_vreg.gather [hbm4b:s5+s2], $0x80, v4, vm0, $0xb8;
	[tilespmem:$0x19C00] =	vst v63  }
0x9d: {  	s1 =	rddreg [dreg:$0xd]  }
0x9e: {  	[tilespmem:s1], [sflag:$0x3] =	stream.indirect_vreg.gather [hbm4b:s6+s2], $0x80, v4, vm0, $0xb8;
	[tilespmem:$0x19C00] =	vst v63  }
0x9f: {  	s9 =	rddreg [dreg:$0xe]  }
0xa0: {  	[tilespmem:s9], [sflag:$0x3] =	stream.indirect_vreg.gather [hbm4b:s3+s2], $0x80, v3, vm0, $0xb8;
	[tilespmem:$0x19C00] =	vst v63  }
0xa1: {  	s1 =	rddreg [dreg:$0xf]  }
0xa2: {  	[tilespmem:s1], [sflag:$0x3] =	stream.indirect_vreg.gather [hbm4b:s5+s2], $0x80, v3, vm0, $0xb8;
	[tilespmem:$0x19C00] =	vst v63  }
0xa3: {  	s9 =	rddreg [dreg:$0x10]  }
0xa4: {  	[tilespmem:s9], [sflag:$0x3] =	stream.indirect_vreg.gather [hbm4b:s6+s2], $0x80, v3, vm0, $0xb8;
	[tilespmem:$0x19C00] =	vst v63  }
0xa5: {  	_ =	swait.ge [sflag:s25], $0x6000  }
0xa6: {  	s9 =	rddreg [dreg:$0x3];
	[sflag:s25] =	ssyncset.done $0x0  }
0xa7: {  	[sflag:s25] =	ssyncadd.s32 $0xFFFFA000;
	s1 =	sadd.s32 s8, s9  }
0xa8: {  	[hbm4b:s1+s2] =	stream.linear.scatter [tilespmem:s10], [sflag:$0x5], $0x6000, $0x38;
	[tilespmem:$0x19C00] =	vst v63  }
0xa9: {  	s1 =	simm.s32 @!p0 $0x8  }
0xaa: {  	_ =	swait.ge @!p0 [sflag:s1], $0x6000  }
0xab: {  	[sflag:s1] =	ssyncset.done @!p0 $0x0  }
0xac: {  	[sflag:s1] =	ssyncadd.s32 @!p0 $0xFFFFA000  }
0xad: {  	v3 =	vld [tilespmem:s7+$0x0];
	_ =	sdelay $0x4  }
0xae: {  	v60 =	vshrl.u32 v3, $0x3  }
0xaf: {  	v4 =	vmul.u32 $0x30, v60  }
0xb0: {  	v3 =	vand.u32 $0x7, v3  }
0xb1: {  	v3 =	vor.u32 v3, v4  }
0xb2: {  	v4 =	vperm.xlane v3, v0;
	_ =	sdelay $0x1  }
0xb3: {  	v4 =	vadd.s32 v1, v4;
	_ =	sdelay $0x3  }
0xb4: {  	v3 =	vperm.xlane v3, v2  }
0xb5: {  	[tilespmem:s26], [sflag:$0x4] =	stream.indirect_vreg.gather [hbm4b:s3+s2], $0x80, v4, vm0, $0xb8;
	[tilespmem:$0x19C00] =	vst v63  }
0xb6: {  	s1 =	rddreg [dreg:$0x11];
	v3 =	vadd.s32 v1, v3  }
0xb7: {  	[tilespmem:s1], [sflag:$0x4] =	stream.indirect_vreg.gather [hbm4b:s5+s2], $0x80, v4, vm0, $0xb8;
	[tilespmem:$0x19C00] =	vst v63  }
0xb8: {  	s9 =	rddreg [dreg:$0x12]  }
0xb9: {  	[tilespmem:s9], [sflag:$0x4] =	stream.indirect_vreg.gather [hbm4b:s6+s2], $0x80, v4, vm0, $0xb8;
	[tilespmem:$0x19C00] =	vst v63  }
0xba: {  	s1 =	rddreg [dreg:$0x13]  }
0xbb: {  	[tilespmem:s1], [sflag:$0x4] =	stream.indirect_vreg.gather [hbm4b:s3+s2], $0x80, v3, vm0, $0xb8;
	[tilespmem:$0x19C00] =	vst v63  }
0xbc: {  	s9 =	rddreg [dreg:$0x14]  }
0xbd: {  	[tilespmem:s9], [sflag:$0x4] =	stream.indirect_vreg.gather [hbm4b:s5+s2], $0x80, v3, vm0, $0xb8;
	[tilespmem:$0x19C00] =	vst v63  }
0xbe: {  	s1 =	rddreg [dreg:$0x15]  }
0xbf: {  	[tilespmem:s1], [sflag:$0x4] =	stream.indirect_vreg.gather [hbm4b:s6+s2], $0x80, v3, vm0, $0xb8;
	[tilespmem:$0x19C00] =	vst v63  }
0xc0: {  	v3 =	vld [tilespmem:s7+$0x10];
	_ =	sdelay $0x4  }
0xc1: {  	v61 =	vshrl.u32 v3, $0x3  }
0xc2: {  	v4 =	vmul.u32 $0x30, v61  }
0xc3: {  	v3 =	vand.u32 $0x7, v3  }
0xc4: {  	v3 =	vor.u32 v3, v4  }
0xc5: {  	v4 =	vperm.xlane v3, v0;
	_ =	sdelay $0x1  }
0xc6: {  	v4 =	vadd.s32 v1, v4;
	_ =	sdelay $0x3  }
0xc7: {  	s1 =	rddreg [dreg:$0x16];
	v3 =	vperm.xlane v3, v2  }
0xc8: {  	[tilespmem:s1], [sflag:$0x4] =	stream.indirect_vreg.gather [hbm4b:s3+s2], $0x80, v4, vm0, $0xb8;
	[tilespmem:$0x19C00] =	vst v63  }
0xc9: {  	s9 =	rddreg [dreg:$0x17];
	v3 =	vadd.s32 v1, v3  }
0xca: {  	[tilespmem:s9], [sflag:$0x4] =	stream.indirect_vreg.gather [hbm4b:s5+s2], $0x80, v4, vm0, $0xb8;
	[tilespmem:$0x19C00] =	vst v63  }
0xcb: {  	s1 =	rddreg [dreg:$0x18]  }
0xcc: {  	[tilespmem:s1], [sflag:$0x4] =	stream.indirect_vreg.gather [hbm4b:s6+s2], $0x80, v4, vm0, $0xb8;
	[tilespmem:$0x19C00] =	vst v63  }
0xcd: {  	s9 =	rddreg [dreg:$0x19]  }
0xce: {  	[tilespmem:s9], [sflag:$0x4] =	stream.indirect_vreg.gather [hbm4b:s3+s2], $0x80, v3, vm0, $0xb8;
	[tilespmem:$0x19C00] =	vst v63  }
0xcf: {  	s1 =	rddreg [dreg:$0x1a]  }
0xd0: {  	[tilespmem:s1], [sflag:$0x4] =	stream.indirect_vreg.gather [hbm4b:s5+s2], $0x80, v3, vm0, $0xb8;
	[tilespmem:$0x19C00] =	vst v63  }
0xd1: {  	s9 =	rddreg [dreg:$0x1b]  }
0xd2: {  	[tilespmem:s9], [sflag:$0x4] =	stream.indirect_vreg.gather [hbm4b:s6+s2], $0x80, v3, vm0, $0xb8;
	[tilespmem:$0x19C00] =	vst v63  }
0xd3: {  	_ =	swait.ge [sflag:s28], $0x6000  }
0xd4: {  	s9 =	rddreg [dreg:$0x2];
	[sflag:s28] =	ssyncset.done $0x0  }
0xd5: {  	[sflag:s28] =	ssyncadd.s32 $0xFFFFA000;
	s1 =	sadd.s32 s8, s9  }
0xd6: {  	[hbm4b:s1+s2] =	stream.linear.scatter [tilespmem:s22], [sflag:$0x6], $0x6000, $0x38;
	[tilespmem:$0x19C00] =	vst v63  }
0xd7: {  	_ =	swait.ge [sflag:s29], $0x6000  }
0xd8: {  	[sflag:s29] =	ssyncset.done $0x0  }
0xd9: {  	[sflag:s29] =	ssyncadd.s32 $0xFFFFA000  }
0xda: {  	v3 =	vld [tilespmem:s7+$0x80];
	_ =	sdelay $0x4  }
0xdb: {  	v62 =	vshrl.u32 v3, $0x3  }
0xdc: {  	v4 =	vmul.u32 $0x30, v62  }
0xdd: {  	v3 =	vand.u32 $0x7, v3  }
0xde: {  	v3 =	vor.u32 v3, v4  }
0xdf: {  	v4 =	vperm.xlane v3, v0;
	_ =	sdelay $0x1  }
0xe0: {  	v4 =	vadd.s32 v1, v4;
	_ =	sdelay $0x3  }
0xe1: {  	v3 =	vperm.xlane v3, v2  }
0xe2: {  	[tilespmem:s10], [sflag:$0x1] =	stream.indirect_vreg.gather [hbm4b:s3+s2], $0x80, v4, vm0, $0xb8;
	[tilespmem:$0x19C00] =	vst v63  }
0xe3: {  	v3 =	vadd.s32 v1, v3  }
0xe4: {  	[tilespmem:s11], [sflag:$0x1] =	stream.indirect_vreg.gather [hbm4b:s5+s2], $0x80, v4, vm0, $0xb8;
	[tilespmem:$0x19C00] =	vst v63  }
0xe5: {  	_ = 	snop  }
0xe6: {  	[tilespmem:s12], [sflag:$0x1] =	stream.indirect_vreg.gather [hbm4b:s6+s2], $0x80, v4, vm0, $0xb8;
	[tilespmem:$0x19C00] =	vst v63  }
0xe7: {  	_ = 	snop  }
0xe8: {  	[tilespmem:s13], [sflag:$0x1] =	stream.indirect_vreg.gather [hbm4b:s3+s2], $0x80, v3, vm0, $0xb8;
	[tilespmem:$0x19C00] =	vst v63  }
0xe9: {  	_ = 	snop  }
0xea: {  	[tilespmem:s14], [sflag:$0x1] =	stream.indirect_vreg.gather [hbm4b:s5+s2], $0x80, v3, vm0, $0xb8;
	[tilespmem:$0x19C00] =	vst v63  }
0xeb: {  	_ = 	snop  }
0xec: {  	[tilespmem:s15], [sflag:$0x1] =	stream.indirect_vreg.gather [hbm4b:s6+s2], $0x80, v3, vm0, $0xb8;
	[tilespmem:$0x19C00] =	vst v63  }
0xed: {  	v3 =	vld [tilespmem:s7+$0x90];
	_ =	sdelay $0x4  }
0xee: {  	v63 =	vshrl.u32 v3, $0x3  }
0xef: {  	v4 =	vmul.u32 $0x30, v63  }
0xf0: {  	v3 =	vand.u32 $0x7, v3  }
0xf1: {  	v3 =	vor.u32 v3, v4  }
0xf2: {  	v4 =	vperm.xlane v3, v0;
	_ =	sdelay $0x1  }
0xf3: {  	v4 =	vadd.s32 v1, v4;
	_ =	sdelay $0x3  }
0xf4: {  	v3 =	vperm.xlane v3, v2  }
0xf5: {  	[tilespmem:s16], [sflag:$0x1] =	stream.indirect_vreg.gather [hbm4b:s3+s2], $0x80, v4, vm0, $0xb8;
	[tilespmem:$0x19C00] =	vst v63  }
0xf6: {  	v3 =	vadd.s32 v1, v3  }
0xf7: {  	[tilespmem:s17], [sflag:$0x1] =	stream.indirect_vreg.gather [hbm4b:s5+s2], $0x80, v4, vm0, $0xb8;
	[tilespmem:$0x19C00] =	vst v63  }
0xf8: {  	_ = 	snop  }
0xf9: {  	[tilespmem:s18], [sflag:$0x1] =	stream.indirect_vreg.gather [hbm4b:s6+s2], $0x80, v4, vm0, $0xb8;
	[tilespmem:$0x19C00] =	vst v63  }
0xfa: {  	_ = 	snop  }
0xfb: {  	[tilespmem:s19], [sflag:$0x1] =	stream.indirect_vreg.gather [hbm4b:s3+s2], $0x80, v3, vm0, $0xb8;
	[tilespmem:$0x19C00] =	vst v63  }
0xfc: {  	_ = 	snop  }
0xfd: {  	[tilespmem:s20], [sflag:$0x1] =	stream.indirect_vreg.gather [hbm4b:s5+s2], $0x80, v3, vm0, $0xb8;
	[tilespmem:$0x19C00] =	vst v63  }
0xfe: {  	_ = 	snop  }
0xff: {  	[tilespmem:s21], [sflag:$0x1] =	stream.indirect_vreg.gather [hbm4b:s6+s2], $0x80, v3, vm0, $0xb8;
	[tilespmem:$0x19C00] =	vst v63  }
0x100: {  	_ =	swait.ge [sflag:s30], $0x6000  }
0x101: {  	s9 =	rddreg [dreg:$0x5];
	[sflag:s30] =	ssyncset.done $0x0  }
0x102: {  	p0 =	seq.s32 s8, $0x21000;
	[sflag:s30] =	ssyncadd.s32 $0xFFFFA000;
	s1 =	sadd.s32 s8, s9  }
0x103: {  	[hbm4b:s1+s2] =	stream.linear.scatter [tilespmem:s24], [sflag:$0x7], $0x6000, $0x38;
	[tilespmem:$0x19C00] =	vst v63  }
0x104: {  	s1 =	simm.s32 @!p0 $0x6  }
0x105: {  	_ =	swait.ge @!p0 [sflag:s1], $0x6000  }
0x106: {  	[sflag:s1] =	ssyncset.done @!p0 $0x0  }
0x107: {  	[sflag:s1] =	ssyncadd.s32 @!p0 $0xFFFFA000  }
0x108: {  	v3 =	vld @!p0 [tilespmem:s7+$0x100];
	_ =	sdelay $0x4  }
0x109: {  	v4 =	vshrl.u32 @!p0 v3, $0x3  }
0x10a: {  	v4 =	vmul.u32 @!p0 $0x30, v4  }
0x10b: {  	v5 =	vlaneseq.u32 @!p0;
	v3 =	vand.u32 @!p0 $0x7, v3  }
0x10c: {  	v6 =	vshrl.u32 @!p0 v5, $0x3;
	v3 =	vor.u32 @!p0 v3, v4;
	v4 =	vand.u32 @!p0 $0x7, v5  }
0x10d: {  	v6 =	vmul.u32 @!p0 $0x8, v6;
	v7 =	vperm.xlane @!p0 v3, v4;
	_ =	sdelay $0x1  }
0x10e: {  	v7 =	vadd.s32 @!p0 v6, v7;
	_ =	sdelay $0x2  }
0x10f: {  	v5 =	vor.u32 @!p0 $0x8, v5  }
0x110: {  	vm1 =	vmmov @!p0 $0xffff;
	s9 =	simm.s32 @!p0 $0x7C00;
	s1 =	simm.s32 @!p0 $0x0;
	v3 =	vperm.xlane @!p0 v3, v5  }
0x111: {  	[tilespmem:s9], [sflag:$0x2] =	stream.indirect_vreg.gather @!p0 [hbm4b:s3+s1], $0x80, v7, vm1, $0xb8;
	[tilespmem:$0x19C00] =	vst v63  }
0x112: {  	v3 =	vadd.s32 @!p0 v6, v3;
	s9 =	simm.s32 @!p0 $0x8400  }
0x113: {  	[tilespmem:s9], [sflag:$0x2] =	stream.indirect_vreg.gather @!p0 [hbm4b:s5+s1], $0x80, v7, vm1, $0xb8;
	[tilespmem:$0x19C00] =	vst v63  }
0x114: {  	s9 =	simm.s32 @!p0 $0x8C00  }
0x115: {  	[tilespmem:s9], [sflag:$0x2] =	stream.indirect_vreg.gather @!p0 [hbm4b:s6+s1], $0x80, v7, vm1, $0xb8;
	[tilespmem:$0x19C00] =	vst v63  }
0x116: {  	s9 =	simm.s32 @!p0 $0x9400  }
0x117: {  	[tilespmem:s9], [sflag:$0x2] =	stream.indirect_vreg.gather @!p0 [hbm4b:s3+s1], $0x80, v3, vm1, $0xb8;
	[tilespmem:$0x19C00] =	vst v63  }
0x118: {  	s9 =	simm.s32 @!p0 $0x9C00  }
0x119: {  	[tilespmem:s9], [sflag:$0x2] =	stream.indirect_vreg.gather @!p0 [hbm4b:s5+s1], $0x80, v3, vm1, $0xb8;
	[tilespmem:$0x19C00] =	vst v63  }
0x11a: {  	s9 =	simm.s32 @!p0 $0xA400  }
0x11b: {  	[tilespmem:s9], [sflag:$0x2] =	stream.indirect_vreg.gather @!p0 [hbm4b:s6+s1], $0x80, v3, vm1, $0xb8;
	[tilespmem:$0x19C00] =	vst v63  }
0x11c: {  	v3 =	vld @!p0 [tilespmem:s7+$0x110];
	_ =	sdelay $0x4  }
0x11d: {  	v7 =	vshrl.u32 @!p0 v3, $0x3  }
0x11e: {  	v7 =	vmul.u32 @!p0 $0x30, v7  }
0x11f: {  	v3 =	vand.u32 @!p0 $0x7, v3  }
0x120: {  	v3 =	vor.u32 @!p0 v3, v7  }
0x121: {  	v4 =	vperm.xlane @!p0 v3, v4;
	_ =	sdelay $0x1  }
0x122: {  	v4 =	vadd.s32 @!p0 v6, v4;
	_ =	sdelay $0x3  }
0x123: {  	s9 =	simm.s32 @!p0 $0xAC00;
	v3 =	vperm.xlane @!p0 v3, v5  }
0x124: {  	[tilespmem:s9], [sflag:$0x2] =	stream.indirect_vreg.gather @!p0 [hbm4b:s3+s1], $0x80, v4, vm1, $0xb8;
	[tilespmem:$0x19C00] =	vst v63  }
0x125: {  	v3 =	vadd.s32 @!p0 v6, v3;
	s9 =	simm.s32 @!p0 $0xB400  }
0x126: {  	[tilespmem:s9], [sflag:$0x2] =	stream.indirect_vreg.gather @!p0 [hbm4b:s5+s1], $0x80, v4, vm1, $0xb8;
	[tilespmem:$0x19C00] =	vst v63  }
0x127: {  	s9 =	simm.s32 @!p0 $0xBC00  }
0x128: {  	[tilespmem:s9], [sflag:$0x2] =	stream.indirect_vreg.gather @!p0 [hbm4b:s6+s1], $0x80, v4, vm1, $0xb8;
	[tilespmem:$0x19C00] =	vst v63  }
0x129: {  	s9 =	simm.s32 @!p0 $0xC400  }
0x12a: {  	[tilespmem:s9], [sflag:$0x2] =	stream.indirect_vreg.gather @!p0 [hbm4b:s3+s1], $0x80, v3, vm1, $0xb8;
	[tilespmem:$0x19C00] =	vst v63  }
0x12b: {  	s9 =	simm.s32 @!p0 $0xCC00  }
0x12c: {  	[tilespmem:s9], [sflag:$0x2] =	stream.indirect_vreg.gather @!p0 [hbm4b:s5+s1], $0x80, v3, vm1, $0xb8;
	[tilespmem:$0x19C00] =	vst v63  }
0x12d: {  	s9 =	simm.s32 @!p0 $0xD400  }
0x12e: {  	[tilespmem:s9], [sflag:$0x2] =	stream.indirect_vreg.gather @!p0 [hbm4b:s6+s1], $0x80, v3, vm1, $0xb8;
	[tilespmem:$0x19C00] =	vst v63  }
0x12f: {  	_ =	swait.ge [sflag:s31], $0x6000  }
0x130: {  	s9 =	rddreg [dreg:$0x4]  }
0x131: {  	s1 =	sadd.s32 s8, s9;
	s8 =	sadd.s32 $0x3000, s8  }
0x132: {  	p0 =	sne.s32 s8, $0x24000  }
.Ltmp0:
0x133: {  	_ = 	snop;
	(pc) =	sbr.rel @p0 .LBB2_2-.Ltmp0, $4  }
0x134: {  	_ = 	snop  }
0x135: {  	[sflag:s31] =	ssyncset.done $0x0  }
0x136: {  	s7 =	sadd.s32 $0x200, s7;
	[sflag:s31] =	ssyncadd.s32 $0xFFFFA000  }
0x137: {  	[hbm4b:s1+s2] =	stream.linear.scatter [tilespmem:s26], [sflag:$0x8], $0x6000, $0x38;
	[tilespmem:$0x19C00] =	vst v63  }
0x138: {  	_ =	swait.ge [sflag:s25], $0x6000  }
0x139: {  	[sflag:s25] =	ssyncset.done $0x0  }
0x13a: {  	s8 =	simm.s32 $0x6;
	s1 =	rddreg [dreg:$0x1d];
	[sflag:s25] =	ssyncadd.s32 $0xFFFFA000  }
0x13b: {  	[hbm4b:s1+s2] =	stream.linear.scatter [tilespmem:s10], [sflag:$0x5], $0x6000, $0x38;
	[tilespmem:$0x19C00] =	vst v63  }
0x13c: {  	_ =	swait.ge [sflag:s8], $0x6000  }
0x13d: {  	[sflag:s8] =	ssyncset.done $0x0  }
0x13e: {  	[sflag:s8] =	ssyncadd.s32 $0xFFFFA000  }
0x13f: {  	_ =	swait.ge [sflag:s0], $0x6000  }
0x140: {  	[sflag:s0] =	ssyncset.done $0x0  }
0x141: {  	[sflag:s0] =	ssyncadd.s32 $0xFFFFA000  }
0x142: {  	_ =	swait.ge [sflag:s23], $0x6000  }
0x143: {  	[sflag:s23] =	ssyncset.done $0x0  }
0x144: {  	[sflag:s23] =	ssyncadd.s32 $0xFFFFA000  }
0x145: {  	_ =	swait.ge [sflag:s29], $0x6000  }
0x146: {  	s4 =	sadd.s32 $0x1, s4;
	s9 =	rddreg [dreg:$0x1e]  }
0x147: {  	p0 =	sne.s32 s4, s9  }
.Ltmp1:
0x148: {  	_ = 	snop;
	(pc) =	sbr.rel @p0 .LBB2_1-.Ltmp1, $3  }
0x149: {  	_ =	sdelay $0x1  }
0x14a: {  	[sflag:s29] =	ssyncset.done $0x0  }
0x14b: {  	[sflag:s29] =	ssyncadd.s32 $0xFFFFA000  }
0x14c: {  	_ =	sfence.sel $0x180000  }
0x14d: {  	[bflag:$0x0] =	sbarrier.arrive $0xFFFF  }
0x14e: {  	_ =	strace $0x90000047  }
0x14f: {  	s0 =	stileid.u32;
	[bflag:$0x2] =	sbarrier.arrive $0xFFFF  }
0x150: {  	p0 =	sne.s32 s0, $0x0;
	s0 =	rddreg [dreg:$0x1]  }
0x151: {  	s0 =	sadd.s32 @!p0 $0x100000, s0  }
0x152: {  	[sflag:s0] =	ssyncadd.tile.s32 @!p0 $0x1;
	_ =	shalt  }
.Lfunc_end2:
_tile_overlayer_lowered:
.L_overlay_start_2:
0x153: {  	(tag) =	ssettag $0x2  }
0x154: {  	s0 =	rddreg [dreg:$0x0];
	s2 =	stileid.u32  }
0x155: {  	s1 =	rddreg [dreg:$0x1];
	p0 =	sne.s32 s2, $0x0  }
0x156: {  	s3 =	rddreg [dreg:$0x2];
	[bflag:$0x3] =	sbarrier.arrive $0xFFFF;
	s2 =	simm.s32 @!p0 $0x1C09  }
0x157: {  	[timem:s3], [sflag:s2] =	dma.local @!p0 [hbm:s0], s1  }
0x158: {  	s0 =	simm.s32 @!p0 $0x9  }
0x159: {  	_ =	swait.ge @!p0 [sflag:s0], s1  }
0x15a: {  	s1 =	ssub.s32 @!p0 $0x0, s1;
	[sflag:s0] =	ssyncset.done @!p0 $0x0  }
0x15b: {  	[sflag:s0] =	ssyncadd.s32 @!p0 s1  }
0x15c: {  	[bflag:$0x3] =	sbarrier.arrive $0xFFFF  }
0x15d: {  	_ =	shalt  }

</sc_bundles>
